<compile_context>
chip_gen: v7x
topology: tpu7x:2x2x1
jax: 0.10.2.dev20260603
libtpu: 0.0.44.dev20260713+nightly
codegen_flags: <defaults>
</compile_context>

<pallas_src>
import functools

import jax
import jax.numpy as jnp
from jax import lax
from jax.experimental import pallas as pl
from jax.experimental.pallas import tpu as pltpu
from jax.experimental.pallas import tpu_sc as plsc

SEQ = 200
DIM = 32
BATCH = 4096
VOCAB = 1000000

_NC = 2
_NS = 16
_NW = _NC * _NS

ROWS_PER_W = (BATCH * SEQ) // _NW
CHUNK_BATCH = 4
CHUNK = CHUNK_BATCH * SEQ
N_CHUNKS = ROWS_PER_W // CHUNK


def _emb_body(idx_hbm, table_hbm, pos_hbm, out_hbm,
              idx_v, rows_v, pos_v, gsem, osem):
    wid = lax.axis_index("s") * _NC + lax.axis_index("c")
    base = wid * ROWS_PER_W

    pltpu.sync_copy(pos_hbm, pos_v)
    pltpu.sync_copy(idx_hbm.at[pl.ds(base, ROWS_PER_W)], idx_v)

    def gather(g, k):
        return pltpu.async_copy(
            table_hbm.at[idx_v.at[pl.ds(g * CHUNK, CHUNK)]],
            rows_v.at[pl.ds(k * CHUNK, CHUNK)],
            gsem.at[k],
        )

    def write(g, k):
        return pltpu.async_copy(
            rows_v.at[pl.ds(k * CHUNK, CHUNK)],
            out_hbm.at[pl.ds(base + g * CHUNK, CHUNK), pl.ds(0, DIM)],
            osem.at[k],
        )

    def wait_gather(g, k):
        pltpu.make_async_copy(
            table_hbm.at[idx_v.at[pl.ds(g * CHUNK, CHUNK)]],
            rows_v.at[pl.ds(k * CHUNK, CHUNK)],
            gsem.at[k],
        ).wait()

    def wait_write(g, k):
        pltpu.make_async_copy(
            rows_v.at[pl.ds(k * CHUNK, CHUNK)],
            out_hbm.at[pl.ds(base + g * CHUNK, CHUNK), pl.ds(0, DIM)],
            osem.at[k],
        ).wait()

    gather(0, 0)

    def g2_body(g2, carry):
        g0 = g2 * 2
        for k in range(2):
            g = g0 + k
            other = 1 - k
            wait_gather(g, k)

            @pl.when(g >= 1)
            def _():
                wait_write(g - 1, other)

            @pl.when(g + 1 < N_CHUNKS)
            def _():
                gather(g + 1, other)

            def s_body(s, c):
                p0 = pos_v[s, pl.ds(0, 16)]
                p1 = pos_v[s, pl.ds(16, 16)]
                for r in range(CHUNK_BATCH):
                    q = k * CHUNK + r * SEQ + s
                    rows_v[q, pl.ds(0, 16)] = rows_v[q, pl.ds(0, 16)] + p0
                    rows_v[q, pl.ds(16, 16)] = rows_v[q, pl.ds(16, 16)] + p1
                return c

            lax.fori_loop(0, SEQ, s_body, 0, unroll=4)
            write(g, k)
        return carry

    lax.fori_loop(0, N_CHUNKS // 2, g2_body, 0)
    wait_write(N_CHUNKS - 1, 1)


_emb = functools.partial(
    pl.kernel,
    mesh=plsc.VectorSubcoreMesh(core_axis_name="c", subcore_axis_name="s"),
    out_type=jax.ShapeDtypeStruct((BATCH * SEQ, 128), jnp.float32),
    scratch_types=[
        pltpu.VMEM((ROWS_PER_W,), jnp.int32),
        pltpu.VMEM((2 * CHUNK, DIM), jnp.float32),
        pltpu.VMEM((SEQ, DIM), jnp.float32),
        pltpu.SemaphoreType.DMA((2,)),
        pltpu.SemaphoreType.DMA((2,)),
    ],
    compiler_params=pltpu.CompilerParams(use_tc_tiling_on_sc=False),
)(_emb_body)


def kernel(inputs, word_table, pos_table):
    flat_idx = inputs.reshape(-1).astype(jnp.int32) * 4
    table_padded = jnp.pad(word_table, ((0, 0), (0, 128 - DIM))).reshape(
        4 * VOCAB, DIM
    )
    out = _emb(flat_idx, table_padded, pos_table)
    return out[:, :DIM].reshape(inputs.shape[0], inputs.shape[1], DIM)

# --- scband reference (transcript-rebuilt; emitter-appended) ---
"""Pipeline reference for scband-positional-embedding-7627861917771 (READ-ONLY COPY).

The authoritative reference and input builder live on the scoring server;
editing this copy changes nothing except your own understanding.
"""

import jax, jax.numpy as jnp
import numpy as np

SEQ_LEN = 200
VOCAB = 1000000
DIM = 32
BATCH = 4096

def setup_inputs(seed: int = 0) -> dict:
    key = jax.random.key(seed)
    k1, k2, k3 = jax.random.split(key, 3)
    inputs = jax.random.randint(k1, (BATCH, SEQ_LEN), 0, VOCAB, dtype=jnp.int64 if jax.config.jax_enable_x64 else jnp.int32)
    word_table = jax.random.normal(k2, (VOCAB, DIM), dtype=jnp.float32) * 0.02
    pos_table = jax.random.normal(k3, (SEQ_LEN, DIM), dtype=jnp.float32) * 0.02
    return {"inputs": inputs, "word_table": word_table, "pos_table": pos_table}

def reference(inputs, word_table, pos_table):
    position_indices = jnp.arange(inputs.shape[-1])
    embedded_words = jnp.take(word_table, inputs, axis=0)
    embedded_indices = jnp.take(pos_table, position_indices, axis=0)
    return embedded_words + embedded_indices

if __name__ == "__main__":
    import jax
    _d = setup_inputs()
    print(jax.jit(kernel)(*tuple(_d.values())))

</pallas_src>

<mosaic_0001>
#map = affine_map<(d0, d1) -> (0)>
#map1 = affine_map<(d0, d1) -> (0, 0)>
module attributes {stable_mosaic.version = 14 : i64} {
  func.func @_emb_body(%arg0: i32, %arg1: i32, %arg2: memref<819200xi32, #tpu.memory_space<hbm>>, %arg3: memref<4000000x32xf32, #tpu.memory_space<hbm>>, %arg4: memref<200x32xf32, #tpu.memory_space<hbm>>, %arg5: memref<819200x128xf32, #tpu.memory_space<hbm>>, %arg6: memref<25600xi32, #tpu.memory_space<vmem>>, %arg7: memref<1600x32xf32, #tpu.memory_space<vmem>>, %arg8: memref<200x32xf32, #tpu.memory_space<vmem>>, %arg9: memref<2x!tpu.dma_semaphore, #tpu.memory_space<semaphore_mem>>, %arg10: memref<2x!tpu.dma_semaphore, #tpu.memory_space<semaphore_mem>>) attributes {dimension_semantics = [#tpu.dimension_semantics<core_parallel>, #tpu.dimension_semantics<subcore_parallel>], iteration_bounds = array<i64: 2, 16>, scalar_prefetch = 0 : i64, scratch_operands = 5 : i64, tpu.core_type = #tpu.core_type<sc_vector_subcore>, window_params = [{transform_indices = #map}, {transform_indices = #map1}, {transform_indices = #map1}, {transform_indices = #map1}]} {
    %mul3A = arith.constant 2 : i32
    %mul3A_0 = arith.muli %arg1, %mul3A : i32
    %add3A = arith.addi %mul3A_0, %arg0 : i32
    %mul3A_1 = arith.constant 25600 : i32
    %mul3A_2 = arith.muli %add3A, %mul3A_1 : i32
    "tpu.region"() ({
      %run_scoped3A = tpu.sem_alloc : memref<!tpu.dma_semaphore, #tpu.memory_space<semaphore_mem>>
      tpu.enqueue_dma source(%arg4 : memref<200x32xf32, #tpu.memory_space<hbm>>) target(%arg8 : memref<200x32xf32, #tpu.memory_space<vmem>>) target_semaphore(%run_scoped3A : memref<!tpu.dma_semaphore, #tpu.memory_space<semaphore_mem>>)
      tpu.wait_dma2 semaphore(%run_scoped3A : memref<!tpu.dma_semaphore, #tpu.memory_space<semaphore_mem>>) src(%arg4 : memref<200x32xf32, #tpu.memory_space<hbm>>) dst(%arg8 : memref<200x32xf32, #tpu.memory_space<vmem>>)
      tpu.yield
    }) : () -> ()
    "tpu.region"() ({
      %run_scoped3A = tpu.sem_alloc : memref<!tpu.dma_semaphore, #tpu.memory_space<semaphore_mem>>
      %dma_start3A_32 = tpu.memref_slice %arg2[%mul3A_2] : memref<819200xi32, #tpu.memory_space<hbm>> -> memref<25600xi32, #tpu.memory_space<hbm>>
      %dma_start3A_33 = tpu.memref_slice %arg2[%mul3A_2] : memref<819200xi32, #tpu.memory_space<hbm>> -> memref<25600xi32, #tpu.memory_space<hbm>>
      tpu.enqueue_dma source(%dma_start3A_33 : memref<25600xi32, #tpu.memory_space<hbm>>) target(%arg6 : memref<25600xi32, #tpu.memory_space<vmem>>) target_semaphore(%run_scoped3A : memref<!tpu.dma_semaphore, #tpu.memory_space<semaphore_mem>>)
      %dma_wait3A_34 = tpu.memref_slice %arg2[%mul3A_2] : memref<819200xi32, #tpu.memory_space<hbm>> -> memref<25600xi32, #tpu.memory_space<hbm>>
      %dma_wait3A_35 = tpu.memref_slice %arg2[%mul3A_2] : memref<819200xi32, #tpu.memory_space<hbm>> -> memref<25600xi32, #tpu.memory_space<hbm>>
      tpu.wait_dma2 semaphore(%run_scoped3A : memref<!tpu.dma_semaphore, #tpu.memory_space<semaphore_mem>>) src(%dma_wait3A_35 : memref<25600xi32, #tpu.memory_space<hbm>>) dst(%arg6 : memref<25600xi32, #tpu.memory_space<vmem>>)
      tpu.yield
    }) : () -> ()
    %dma_start3A = arith.constant 0 : i32
    %dma_start3A_3 = arith.constant 0 : i32
    %dma_start3A_4 = arith.constant 0 : i32
    %dma_start3A_5 = tpu.memref_slice %arg7[%dma_start3A_3, %dma_start3A_4] : memref<1600x32xf32, #tpu.memory_space<vmem>> -> memref<800x32xf32, #tpu.memory_space<vmem>>
    %dma_start3A_6 = arith.constant 0 : i32
    %dma_start3A_7 = tpu.memref_slice %arg6[%dma_start3A_6] : memref<25600xi32, #tpu.memory_space<vmem>> -> memref<800xi32, #tpu.memory_space<vmem>>
    %dma_start3A_8 = arith.constant 0 : i32
    %dma_start3A_9 = arith.constant 0 : i32
    %dma_start3A_10 = tpu.memref_slice %arg3[%dma_start3A_8, %dma_start3A_9] : memref<4000000x32xf32, #tpu.memory_space<hbm>> -> memref<4000000x32xf32, #tpu.memory_space<hbm>>
    %dma_start3A_11 = tpu.memref_slice %arg9[%dma_start3A] : memref<2x!tpu.dma_semaphore, #tpu.memory_space<semaphore_mem>> -> memref<1x!tpu.dma_semaphore, #tpu.memory_space<semaphore_mem>>
    %dma_start3A_12 = tpu.memref_squeeze %dma_start3A_11 : memref<1x!tpu.dma_semaphore, #tpu.memory_space<semaphore_mem>> -> memref<!tpu.dma_semaphore, #tpu.memory_space<semaphore_mem>>
    tpu.enqueue_indirect_dma source(%dma_start3A_10 : memref<4000000x32xf32, #tpu.memory_space<hbm>>) target(%dma_start3A_5 : memref<800x32xf32, #tpu.memory_space<vmem>>) offsets(%dma_start3A_7 : memref<800xi32, #tpu.memory_space<vmem>>) semaphore(%dma_start3A_12 : memref<!tpu.dma_semaphore, #tpu.memory_space<semaphore_mem>>)
    %scan3A = arith.constant 0 : i32
    %scan3A_13 = arith.constant 0 : i32
    %scan3A_14 = arith.constant 16 : i32
    %scan3A_15 = arith.addi %scan3A_13, %scan3A_14 : i32
    %scan3A_16 = arith.constant 1 : i32
    scf.for %scan3A_32 = %scan3A_13 to %scan3A_15 step %scan3A_16  : i32 {
      %mul3A_33 = arith.constant 2 : i32
      %mul3A_34 = arith.muli %scan3A_32, %mul3A_33 : i32
      %add3A_35 = arith.constant 0 : i32
      %add3A_36 = arith.addi %mul3A_34, %add3A_35 : i32
      %mul3A_37 = arith.constant 800 : i32
      %mul3A_38 = arith.muli %add3A_36, %mul3A_37 : i32
      %dma_wait3A_39 = arith.constant 0 : i32
      %dma_wait3A_40 = arith.constant 0 : i32
      %dma_wait3A_41 = arith.constant 0 : i32
      %dma_wait3A_42 = tpu.memref_slice %arg7[%dma_wait3A_40, %dma_wait3A_41] : memref<1600x32xf32, #tpu.memory_space<vmem>> -> memref<800x32xf32, #tpu.memory_space<vmem>>
      %dma_wait3A_43 = tpu.memref_slice %arg6[%mul3A_38] : memref<25600xi32, #tpu.memory_space<vmem>> -> memref<800xi32, #tpu.memory_space<vmem>>
      %dma_wait3A_44 = arith.constant 0 : i32
      %dma_wait3A_45 = arith.constant 0 : i32
      %dma_wait3A_46 = tpu.memref_slice %arg3[%dma_wait3A_44, %dma_wait3A_45] : memref<4000000x32xf32, #tpu.memory_space<hbm>> -> memref<4000000x32xf32, #tpu.memory_space<hbm>>
      %dma_wait3A_47 = tpu.memref_slice %arg9[%dma_wait3A_39] : memref<2x!tpu.dma_semaphore, #tpu.memory_space<semaphore_mem>> -> memref<1x!tpu.dma_semaphore, #tpu.memory_space<semaphore_mem>>
      %dma_wait3A_48 = tpu.memref_squeeze %dma_wait3A_47 : memref<1x!tpu.dma_semaphore, #tpu.memory_space<semaphore_mem>> -> memref<!tpu.dma_semaphore, #tpu.memory_space<semaphore_mem>>
      tpu.wait_indirect_dma semaphore(%dma_wait3A_48 : memref<!tpu.dma_semaphore, #tpu.memory_space<semaphore_mem>>) src(%dma_wait3A_46 : memref<4000000x32xf32, #tpu.memory_space<hbm>>) dst(%dma_wait3A_42 : memref<800x32xf32, #tpu.memory_space<vmem>>)
      %ge3A = arith.constant 1 : i32
      %ge3A_49 = arith.cmpi sge, %add3A_36, %ge3A : i32
      %convert_element_type3A = arith.extui %ge3A_49 : i1 to i32
      %cond3A = arith.constant 0 : i32
      %cond3A_50 = arith.cmpi ne, %convert_element_type3A, %cond3A : i32
      scf.if %cond3A_50 {
        %sub3A = arith.constant 1 : i32
        %sub3A_127 = arith.subi %add3A_36, %sub3A : i32
        %mul3A_128 = arith.constant 800 : i32
        %mul3A_129 = arith.muli %sub3A_127, %mul3A_128 : i32
        %add3A_130 = arith.addi %mul3A_2, %mul3A_129 : i32
        %dma_wait3A_131 = arith.constant 1 : i32
        %dma_wait3A_132 = arith.constant 800 : i32
        %dma_wait3A_133 = arith.constant 0 : i32
        %dma_wait3A_134 = tpu.memref_slice %arg7[%dma_wait3A_132, %dma_wait3A_133] : memref<1600x32xf32, #tpu.memory_space<vmem>> -> memref<800x32xf32, #tpu.memory_space<vmem>>
        %dma_wait3A_135 = arith.constant 0 : i32
        %dma_wait3A_136 = tpu.memref_slice %arg5[%add3A_130, %dma_wait3A_135] : memref<819200x128xf32, #tpu.memory_space<hbm>> -> memref<800x32xf32, #tpu.memory_space<hbm>>
        %dma_wait3A_137 = tpu.memref_slice %arg10[%dma_wait3A_131] : memref<2x!tpu.dma_semaphore, #tpu.memory_space<semaphore_mem>> -> memref<1x!tpu.dma_semaphore, #tpu.memory_space<semaphore_mem>>
        %dma_wait3A_138 = tpu.memref_squeeze %dma_wait3A_137 : memref<1x!tpu.dma_semaphore, #tpu.memory_space<semaphore_mem>> -> memref<!tpu.dma_semaphore, #tpu.memory_space<semaphore_mem>>
        %dma_wait3A_139 = arith.constant 0 : i32
        %dma_wait3A_140 = tpu.memref_slice %arg5[%add3A_130, %dma_wait3A_139] : memref<819200x128xf32, #tpu.memory_space<hbm>> -> memref<800x32xf32, #tpu.memory_space<hbm>>
        %dma_wait3A_141 = arith.constant 800 : i32
        %dma_wait3A_142 = arith.constant 0 : i32
        %dma_wait3A_143 = tpu.memref_slice %arg7[%dma_wait3A_141, %dma_wait3A_142] : memref<1600x32xf32, #tpu.memory_space<vmem>> -> memref<800x32xf32, #tpu.memory_space<vmem>>
        tpu.wait_dma2 semaphore(%dma_wait3A_138 : memref<!tpu.dma_semaphore, #tpu.memory_space<semaphore_mem>>) src(%dma_wait3A_143 : memref<800x32xf32, #tpu.memory_space<vmem>>) dst(%dma_wait3A_140 : memref<800x32xf32, #tpu.memory_space<hbm>>)
      } else {
      }
      %add3A_51 = arith.constant 1 : i32
      %add3A_52 = arith.addi %add3A_36, %add3A_51 : i32
      %lt3A = arith.constant 32 : i32
      %lt3A_53 = arith.cmpi slt, %add3A_52, %lt3A : i32
      %convert_element_type3A_54 = arith.extui %lt3A_53 : i1 to i32
      %cond3A_55 = arith.constant 0 : i32
      %cond3A_56 = arith.cmpi ne, %convert_element_type3A_54, %cond3A_55 : i32
      scf.if %cond3A_56 {
        %add3A_127 = arith.constant 1 : i32
        %add3A_128 = arith.addi %add3A_36, %add3A_127 : i32
        %mul3A_129 = arith.constant 800 : i32
        %mul3A_130 = arith.muli %add3A_128, %mul3A_129 : i32
        %dma_start3A_131 = arith.constant 1 : i32
        %dma_start3A_132 = arith.constant 800 : i32
        %dma_start3A_133 = arith.constant 0 : i32
        %dma_start3A_134 = tpu.memref_slice %arg7[%dma_start3A_132, %dma_start3A_133] : memref<1600x32xf32, #tpu.memory_space<vmem>> -> memref<800x32xf32, #tpu.memory_space<vmem>>
        %dma_start3A_135 = tpu.memref_slice %arg6[%mul3A_130] : memref<25600xi32, #tpu.memory_space<vmem>> -> memref<800xi32, #tpu.memory_space<vmem>>
        %dma_start3A_136 = arith.constant 0 : i32
        %dma_start3A_137 = arith.constant 0 : i32
        %dma_start3A_138 = tpu.memref_slice %arg3[%dma_start3A_136, %dma_start3A_137] : memref<4000000x32xf32, #tpu.memory_space<hbm>> -> memref<4000000x32xf32, #tpu.memory_space<hbm>>
        %dma_start3A_139 = tpu.memref_slice %arg9[%dma_start3A_131] : memref<2x!tpu.dma_semaphore, #tpu.memory_space<semaphore_mem>> -> memref<1x!tpu.dma_semaphore, #tpu.memory_space<semaphore_mem>>
        %dma_start3A_140 = tpu.memref_squeeze %dma_start3A_139 : memref<1x!tpu.dma_semaphore, #tpu.memory_space<semaphore_mem>> -> memref<!tpu.dma_semaphore, #tpu.memory_space<semaphore_mem>>
        tpu.enqueue_indirect_dma source(%dma_start3A_138 : memref<4000000x32xf32, #tpu.memory_space<hbm>>) target(%dma_start3A_134 : memref<800x32xf32, #tpu.memory_space<vmem>>) offsets(%dma_start3A_135 : memref<800xi32, #tpu.memory_space<vmem>>) semaphore(%dma_start3A_140 : memref<!tpu.dma_semaphore, #tpu.memory_space<semaphore_mem>>)
      } else {
      }
      %scan3A_57 = arith.constant 0 : i32
      %scan3A_58 = arith.constant 0 : i32
      %scan3A_59 = arith.constant 200 : i32
      %scan3A_60 = arith.addi %scan3A_58, %scan3A_59 : i32
      %scan3A_61 = arith.constant 4 : i32
      scf.for %scan3A_127 = %scan3A_58 to %scan3A_60 step %scan3A_61  : i32 {
        %get3A = arith.index_cast %scan3A_127 : i32 to index
        %get3A_128 = arith.constant 0 : index
        %get3A_129 = tpu.vector_load %arg8[%get3A, %get3A_128] {strides = array<i32>} : memref<200x32xf32, #tpu.memory_space<vmem>>, vector<1x16xf32>,
        %get3A_130 = vector.shape_cast %get3A_129 : vector<1x16xf32> to vector<16xf32>
        %get3A_131 = arith.index_cast %scan3A_127 : i32 to index
        %get3A_132 = arith.constant 16 : index
        %get3A_133 = tpu.vector_load %arg8[%get3A_131, %get3A_132] {strides = array<i32>} : memref<200x32xf32, #tpu.memory_space<vmem>>, vector<1x16xf32>,
        %get3A_134 = vector.shape_cast %get3A_133 : vector<1x16xf32> to vector<16xf32>
        %add3A_135 = arith.constant 0 : i32
        %add3A_136 = arith.addi %add3A_135, %scan3A_127 : i32
        %get3A_137 = arith.index_cast %add3A_136 : i32 to index
        %get3A_138 = arith.constant 0 : index
        %get3A_139 = tpu.vector_load %arg7[%get3A_137, %get3A_138] {strides = array<i32>} : memref<1600x32xf32, #tpu.memory_space<vmem>>, vector<1x16xf32>,
        %get3A_140 = vector.shape_cast %get3A_139 : vector<1x16xf32> to vector<16xf32>
        %add3A_141 = arith.addf %get3A_140, %get3A_130 : vector<16xf32>
        %swap3A = arith.index_cast %add3A_136 : i32 to index
        %swap3A_142 = arith.constant 0 : index
        %swap3A_143 = tpu.vector_load %arg7[%swap3A, %swap3A_142] {strides = array<i32>} : memref<1600x32xf32, #tpu.memory_space<vmem>>, vector<1x16xf32>,
        %swap3A_144 = vector.shape_cast %swap3A_143 : vector<1x16xf32> to vector<16xf32>
        %swap3A_145 = vector.shape_cast %add3A_141 : vector<16xf32> to vector<1x16xf32>
        tpu.vector_store %arg7[%swap3A, %swap3A_142], %swap3A_145 {strides = array<i32>} : memref<1600x32xf32, #tpu.memory_space<vmem>>, vector<1x16xf32>,
        %get3A_146 = arith.index_cast %add3A_136 : i32 to index
        %get3A_147 = arith.constant 16 : index
        %get3A_148 = tpu.vector_load %arg7[%get3A_146, %get3A_147] {strides = array<i32>} : memref<1600x32xf32, #tpu.memory_space<vmem>>, vector<1x16xf32>,
        %get3A_149 = vector.shape_cast %get3A_148 : vector<1x16xf32> to vector<16xf32>
        %add3A_150 = arith.addf %get3A_149, %get3A_134 : vector<16xf32>
        %swap3A_151 = arith.index_cast %add3A_136 : i32 to index
        %swap3A_152 = arith.constant 16 : index
        %swap3A_153 = tpu.vector_load %arg7[%swap3A_151, %swap3A_152] {strides = array<i32>} : memref<1600x32xf32, #tpu.memory_space<vmem>>, vector<1x16xf32>,
        %swap3A_154 = vector.shape_cast %swap3A_153 : vector<1x16xf32> to vector<16xf32>
        %swap3A_155 = vector.shape_cast %add3A_150 : vector<16xf32> to vector<1x16xf32>
        tpu.vector_store %arg7[%swap3A_151, %swap3A_152], %swap3A_155 {strides = array<i32>} : memref<1600x32xf32, #tpu.memory_space<vmem>>, vector<1x16xf32>,
        %add3A_156 = arith.constant 200 : i32
        %add3A_157 = arith.addi %add3A_156, %scan3A_127 : i32
        %get3A_158 = arith.index_cast %add3A_157 : i32 to index
        %get3A_159 = arith.constant 0 : index
        %get3A_160 = tpu.vector_load %arg7[%get3A_158, %get3A_159] {strides = array<i32>} : memref<1600x32xf32, #tpu.memory_space<vmem>>, vector<1x16xf32>,
        %get3A_161 = vector.shape_cast %get3A_160 : vector<1x16xf32> to vector<16xf32>
        %add3A_162 = arith.addf %get3A_161, %get3A_130 : vector<16xf32>
        %swap3A_163 = arith.index_cast %add3A_157 : i32 to index
        %swap3A_164 = arith.constant 0 : index
        %swap3A_165 = tpu.vector_load %arg7[%swap3A_163, %swap3A_164] {strides = array<i32>} : memref<1600x32xf32, #tpu.memory_space<vmem>>, vector<1x16xf32>,
        %swap3A_166 = vector.shape_cast %swap3A_165 : vector<1x16xf32> to vector<16xf32>
        %swap3A_167 = vector.shape_cast %add3A_162 : vector<16xf32> to vector<1x16xf32>
        tpu.vector_store %arg7[%swap3A_163, %swap3A_164], %swap3A_167 {strides = array<i32>} : memref<1600x32xf32, #tpu.memory_space<vmem>>, vector<1x16xf32>,
        %get3A_168 = arith.index_cast %add3A_157 : i32 to index
        %get3A_169 = arith.constant 16 : index
        %get3A_170 = tpu.vector_load %arg7[%get3A_168, %get3A_169] {strides = array<i32>} : memref<1600x32xf32, #tpu.memory_space<vmem>>, vector<1x16xf32>,
        %get3A_171 = vector.shape_cast %get3A_170 : vector<1x16xf32> to vector<16xf32>
        %add3A_172 = arith.addf %get3A_171, %get3A_134 : vector<16xf32>
        %swap3A_173 = arith.index_cast %add3A_157 : i32 to index
        %swap3A_174 = arith.constant 16 : index
        %swap3A_175 = tpu.vector_load %arg7[%swap3A_173, %swap3A_174] {strides = array<i32>} : memref<1600x32xf32, #tpu.memory_space<vmem>>, vector<1x16xf32>,
        %swap3A_176 = vector.shape_cast %swap3A_175 : vector<1x16xf32> to vector<16xf32>
        %swap3A_177 = vector.shape_cast %add3A_172 : vector<16xf32> to vector<1x16xf32>
        tpu.vector_store %arg7[%swap3A_173, %swap3A_174], %swap3A_177 {strides = array<i32>} : memref<1600x32xf32, #tpu.memory_space<vmem>>, vector<1x16xf32>,
        %add3A_178 = arith.constant 400 : i32
        %add3A_179 = arith.addi %add3A_178, %scan3A_127 : i32
        %get3A_180 = arith.index_cast %add3A_179 : i32 to index
        %get3A_181 = arith.constant 0 : index
        %get3A_182 = tpu.vector_load %arg7[%get3A_180, %get3A_181] {strides = array<i32>} : memref<1600x32xf32, #tpu.memory_space<vmem>>, vector<1x16xf32>,
        %get3A_183 = vector.shape_cast %get3A_182 : vector<1x16xf32> to vector<16xf32>
        %add3A_184 = arith.addf %get3A_183, %get3A_130 : vector<16xf32>
        %swap3A_185 = arith.index_cast %add3A_179 : i32 to index
        %swap3A_186 = arith.constant 0 : index
        %swap3A_187 = tpu.vector_load %arg7[%swap3A_185, %swap3A_186] {strides = array<i32>} : memref<1600x32xf32, #tpu.memory_space<vmem>>, vector<1x16xf32>,
        %swap3A_188 = vector.shape_cast %swap3A_187 : vector<1x16xf32> to vector<16xf32>
        %swap3A_189 = vector.shape_cast %add3A_184 : vector<16xf32> to vector<1x16xf32>
        tpu.vector_store %arg7[%swap3A_185, %swap3A_186], %swap3A_189 {strides = array<i32>} : memref<1600x32xf32, #tpu.memory_space<vmem>>, vector<1x16xf32>,
        %get3A_190 = arith.index_cast %add3A_179 : i32 to index
        %get3A_191 = arith.constant 16 : index
        %get3A_192 = tpu.vector_load %arg7[%get3A_190, %get3A_191] {strides = array<i32>} : memref<1600x32xf32, #tpu.memory_space<vmem>>, vector<1x16xf32>,
        %get3A_193 = vector.shape_cast %get3A_192 : vector<1x16xf32> to vector<16xf32>
        %add3A_194 = arith.addf %get3A_193, %get3A_134 : vector<16xf32>
        %swap3A_195 = arith.index_cast %add3A_179 : i32 to index
        %swap3A_196 = arith.constant 16 : index
        %swap3A_197 = tpu.vector_load %arg7[%swap3A_195, %swap3A_196] {strides = array<i32>} : memref<1600x32xf32, #tpu.memory_space<vmem>>, vector<1x16xf32>,
        %swap3A_198 = vector.shape_cast %swap3A_197 : vector<1x16xf32> to vector<16xf32>
        %swap3A_199 = vector.shape_cast %add3A_194 : vector<16xf32> to vector<1x16xf32>
        tpu.vector_store %arg7[%swap3A_195, %swap3A_196], %swap3A_199 {strides = array<i32>} : memref<1600x32xf32, #tpu.memory_space<vmem>>, vector<1x16xf32>,
        %add3A_200 = arith.constant 600 : i32
        %add3A_201 = arith.addi %add3A_200, %scan3A_127 : i32
        %get3A_202 = arith.index_cast %add3A_201 : i32 to index
        %get3A_203 = arith.constant 0 : index
        %get3A_204 = tpu.vector_load %arg7[%get3A_202, %get3A_203] {strides = array<i32>} : memref<1600x32xf32, #tpu.memory_space<vmem>>, vector<1x16xf32>,
        %get3A_205 = vector.shape_cast %get3A_204 : vector<1x16xf32> to vector<16xf32>
        %add3A_206 = arith.addf %get3A_205, %get3A_130 : vector<16xf32>
        %swap3A_207 = arith.index_cast %add3A_201 : i32 to index
        %swap3A_208 = arith.constant 0 : index
        %swap3A_209 = tpu.vector_load %arg7[%swap3A_207, %swap3A_208] {strides = array<i32>} : memref<1600x32xf32, #tpu.memory_space<vmem>>, vector<1x16xf32>,
        %swap3A_210 = vector.shape_cast %swap3A_209 : vector<1x16xf32> to vector<16xf32>
        %swap3A_211 = vector.shape_cast %add3A_206 : vector<16xf32> to vector<1x16xf32>
        tpu.vector_store %arg7[%swap3A_207, %swap3A_208], %swap3A_211 {strides = array<i32>} : memref<1600x32xf32, #tpu.memory_space<vmem>>, vector<1x16xf32>,
        %get3A_212 = arith.index_cast %add3A_201 : i32 to index
        %get3A_213 = arith.constant 16 : index
        %get3A_214 = tpu.vector_load %arg7[%get3A_212, %get3A_213] {strides = array<i32>} : memref<1600x32xf32, #tpu.memory_space<vmem>>, vector<1x16xf32>,
        %get3A_215 = vector.shape_cast %get3A_214 : vector<1x16xf32> to vector<16xf32>
        %add3A_216 = arith.addf %get3A_215, %get3A_134 : vector<16xf32>
        %swap3A_217 = arith.index_cast %add3A_201 : i32 to index
        %swap3A_218 = arith.constant 16 : index
        %swap3A_219 = tpu.vector_load %arg7[%swap3A_217, %swap3A_218] {strides = array<i32>} : memref<1600x32xf32, #tpu.memory_space<vmem>>, vector<1x16xf32>,
        %swap3A_220 = vector.shape_cast %swap3A_219 : vector<1x16xf32> to vector<16xf32>
        %swap3A_221 = vector.shape_cast %add3A_216 : vector<16xf32> to vector<1x16xf32>
        tpu.vector_store %arg7[%swap3A_217, %swap3A_218], %swap3A_221 {strides = array<i32>} : memref<1600x32xf32, #tpu.memory_space<vmem>>, vector<1x16xf32>,
        %scan3A_222 = arith.constant 1 : i32
        %scan3A_223 = arith.addi %scan3A_127, %scan3A_222 : i32
        %get3A_224 = arith.index_cast %scan3A_223 : i32 to index
        %get3A_225 = arith.constant 0 : index
        %get3A_226 = tpu.vector_load %arg8[%get3A_224, %get3A_225] {strides = array<i32>} : memref<200x32xf32, #tpu.memory_space<vmem>>, vector<1x16xf32>,
        %get3A_227 = vector.shape_cast %get3A_226 : vector<1x16xf32> to vector<16xf32>
        %get3A_228 = arith.index_cast %scan3A_223 : i32 to index
        %get3A_229 = arith.constant 16 : index
        %get3A_230 = tpu.vector_load %arg8[%get3A_228, %get3A_229] {strides = array<i32>} : memref<200x32xf32, #tpu.memory_space<vmem>>, vector<1x16xf32>,
        %get3A_231 = vector.shape_cast %get3A_230 : vector<1x16xf32> to vector<16xf32>
        %add3A_232 = arith.constant 0 : i32
        %add3A_233 = arith.addi %add3A_232, %scan3A_223 : i32
        %get3A_234 = arith.index_cast %add3A_233 : i32 to index
        %get3A_235 = arith.constant 0 : index
        %get3A_236 = tpu.vector_load %arg7[%get3A_234, %get3A_235] {strides = array<i32>} : memref<1600x32xf32, #tpu.memory_space<vmem>>, vector<1x16xf32>,
        %get3A_237 = vector.shape_cast %get3A_236 : vector<1x16xf32> to vector<16xf32>
        %add3A_238 = arith.addf %get3A_237, %get3A_227 : vector<16xf32>
        %swap3A_239 = arith.index_cast %add3A_233 : i32 to index
        %swap3A_240 = arith.constant 0 : index
        %swap3A_241 = tpu.vector_load %arg7[%swap3A_239, %swap3A_240] {strides = array<i32>} : memref<1600x32xf32, #tpu.memory_space<vmem>>, vector<1x16xf32>,
        %swap3A_242 = vector.shape_cast %swap3A_241 : vector<1x16xf32> to vector<16xf32>
        %swap3A_243 = vector.shape_cast %add3A_238 : vector<16xf32> to vector<1x16xf32>
        tpu.vector_store %arg7[%swap3A_239, %swap3A_240], %swap3A_243 {strides = array<i32>} : memref<1600x32xf32, #tpu.memory_space<vmem>>, vector<1x16xf32>,
        %get3A_244 = arith.index_cast %add3A_233 : i32 to index
        %get3A_245 = arith.constant 16 : index
        %get3A_246 = tpu.vector_load %arg7[%get3A_244, %get3A_245] {strides = array<i32>} : memref<1600x32xf32, #tpu.memory_space<vmem>>, vector<1x16xf32>,
        %get3A_247 = vector.shape_cast %get3A_246 : vector<1x16xf32> to vector<16xf32>
        %add3A_248 = arith.addf %get3A_247, %get3A_231 : vector<16xf32>
        %swap3A_249 = arith.index_cast %add3A_233 : i32 to index
        %swap3A_250 = arith.constant 16 : index
        %swap3A_251 = tpu.vector_load %arg7[%swap3A_249, %swap3A_250] {strides = array<i32>} : memref<1600x32xf32, #tpu.memory_space<vmem>>, vector<1x16xf32>,
        %swap3A_252 = vector.shape_cast %swap3A_251 : vector<1x16xf32> to vector<16xf32>
        %swap3A_253 = vector.shape_cast %add3A_248 : vector<16xf32> to vector<1x16xf32>
        tpu.vector_store %arg7[%swap3A_249, %swap3A_250], %swap3A_253 {strides = array<i32>} : memref<1600x32xf32, #tpu.memory_space<vmem>>, vector<1x16xf32>,
        %add3A_254 = arith.constant 200 : i32
        %add3A_255 = arith.addi %add3A_254, %scan3A_223 : i32
        %get3A_256 = arith.index_cast %add3A_255 : i32 to index
        %get3A_257 = arith.constant 0 : index
        %get3A_258 = tpu.vector_load %arg7[%get3A_256, %get3A_257] {strides = array<i32>} : memref<1600x32xf32, #tpu.memory_space<vmem>>, vector<1x16xf32>,
        %get3A_259 = vector.shape_cast %get3A_258 : vector<1x16xf32> to vector<16xf32>
        %add3A_260 = arith.addf %get3A_259, %get3A_227 : vector<16xf32>
        %swap3A_261 = arith.index_cast %add3A_255 : i32 to index
        %swap3A_262 = arith.constant 0 : index
        %swap3A_263 = tpu.vector_load %arg7[%swap3A_261, %swap3A_262] {strides = array<i32>} : memref<1600x32xf32, #tpu.memory_space<vmem>>, vector<1x16xf32>,
        %swap3A_264 = vector.shape_cast %swap3A_263 : vector<1x16xf32> to vector<16xf32>
        %swap3A_265 = vector.shape_cast %add3A_260 : vector<16xf32> to vector<1x16xf32>
        tpu.vector_store %arg7[%swap3A_261, %swap3A_262], %swap3A_265 {strides = array<i32>} : memref<1600x32xf32, #tpu.memory_space<vmem>>, vector<1x16xf32>,
        %get3A_266 = arith.index_cast %add3A_255 : i32 to index
        %get3A_267 = arith.constant 16 : index
        %get3A_268 = tpu.vector_load %arg7[%get3A_266, %get3A_267] {strides = array<i32>} : memref<1600x32xf32, #tpu.memory_space<vmem>>, vector<1x16xf32>,
        %get3A_269 = vector.shape_cast %get3A_268 : vector<1x16xf32> to vector<16xf32>
        %add3A_270 = arith.addf %get3A_269, %get3A_231 : vector<16xf32>
        %swap3A_271 = arith.index_cast %add3A_255 : i32 to index
        %swap3A_272 = arith.constant 16 : index
        %swap3A_273 = tpu.vector_load %arg7[%swap3A_271, %swap3A_272] {strides = array<i32>} : memref<1600x32xf32, #tpu.memory_space<vmem>>, vector<1x16xf32>,
        %swap3A_274 = vector.shape_cast %swap3A_273 : vector<1x16xf32> to vector<16xf32>
        %swap3A_275 = vector.shape_cast %add3A_270 : vector<16xf32> to vector<1x16xf32>
        tpu.vector_store %arg7[%swap3A_271, %swap3A_272], %swap3A_275 {strides = array<i32>} : memref<1600x32xf32, #tpu.memory_space<vmem>>, vector<1x16xf32>,
        %add3A_276 = arith.constant 400 : i32
        %add3A_277 = arith.addi %add3A_276, %scan3A_223 : i32
        %get3A_278 = arith.index_cast %add3A_277 : i32 to index
        %get3A_279 = arith.constant 0 : index
        %get3A_280 = tpu.vector_load %arg7[%get3A_278, %get3A_279] {strides = array<i32>} : memref<1600x32xf32, #tpu.memory_space<vmem>>, vector<1x16xf32>,
        %get3A_281 = vector.shape_cast %get3A_280 : vector<1x16xf32> to vector<16xf32>
        %add3A_282 = arith.addf %get3A_281, %get3A_227 : vector<16xf32>
        %swap3A_283 = arith.index_cast %add3A_277 : i32 to index
        %swap3A_284 = arith.constant 0 : index
        %swap3A_285 = tpu.vector_load %arg7[%swap3A_283, %swap3A_284] {strides = array<i32>} : memref<1600x32xf32, #tpu.memory_space<vmem>>, vector<1x16xf32>,
        %swap3A_286 = vector.shape_cast %swap3A_285 : vector<1x16xf32> to vector<16xf32>
        %swap3A_287 = vector.shape_cast %add3A_282 : vector<16xf32> to vector<1x16xf32>
        tpu.vector_store %arg7[%swap3A_283, %swap3A_284], %swap3A_287 {strides = array<i32>} : memref<1600x32xf32, #tpu.memory_space<vmem>>, vector<1x16xf32>,
        %get3A_288 = arith.index_cast %add3A_277 : i32 to index
        %get3A_289 = arith.constant 16 : index
        %get3A_290 = tpu.vector_load %arg7[%get3A_288, %get3A_289] {strides = array<i32>} : memref<1600x32xf32, #tpu.memory_space<vmem>>, vector<1x16xf32>,
        %get3A_291 = vector.shape_cast %get3A_290 : vector<1x16xf32> to vector<16xf32>
        %add3A_292 = arith.addf %get3A_291, %get3A_231 : vector<16xf32>
        %swap3A_293 = arith.index_cast %add3A_277 : i32 to index
        %swap3A_294 = arith.constant 16 : index
        %swap3A_295 = tpu.vector_load %arg7[%swap3A_293, %swap3A_294] {strides = array<i32>} : memref<1600x32xf32, #tpu.memory_space<vmem>>, vector<1x16xf32>,
        %swap3A_296 = vector.shape_cast %swap3A_295 : vector<1x16xf32> to vector<16xf32>
        %swap3A_297 = vector.shape_cast %add3A_292 : vector<16xf32> to vector<1x16xf32>
        tpu.vector_store %arg7[%swap3A_293, %swap3A_294], %swap3A_297 {strides = array<i32>} : memref<1600x32xf32, #tpu.memory_space<vmem>>, vector<1x16xf32>,
        %add3A_298 = arith.constant 600 : i32
        %add3A_299 = arith.addi %add3A_298, %scan3A_223 : i32
        %get3A_300 = arith.index_cast %add3A_299 : i32 to index
        %get3A_301 = arith.constant 0 : index
        %get3A_302 = tpu.vector_load %arg7[%get3A_300, %get3A_301] {strides = array<i32>} : memref<1600x32xf32, #tpu.memory_space<vmem>>, vector<1x16xf32>,
        %get3A_303 = vector.shape_cast %get3A_302 : vector<1x16xf32> to vector<16xf32>
        %add3A_304 = arith.addf %get3A_303, %get3A_227 : vector<16xf32>
        %swap3A_305 = arith.index_cast %add3A_299 : i32 to index
        %swap3A_306 = arith.constant 0 : index
        %swap3A_307 = tpu.vector_load %arg7[%swap3A_305, %swap3A_306] {strides = array<i32>} : memref<1600x32xf32, #tpu.memory_space<vmem>>, vector<1x16xf32>,
        %swap3A_308 = vector.shape_cast %swap3A_307 : vector<1x16xf32> to vector<16xf32>
        %swap3A_309 = vector.shape_cast %add3A_304 : vector<16xf32> to vector<1x16xf32>
        tpu.vector_store %arg7[%swap3A_305, %swap3A_306], %swap3A_309 {strides = array<i32>} : memref<1600x32xf32, #tpu.memory_space<vmem>>, vector<1x16xf32>,
        %get3A_310 = arith.index_cast %add3A_299 : i32 to index
        %get3A_311 = arith.constant 16 : index
        %get3A_312 = tpu.vector_load %arg7[%get3A_310, %get3A_311] {strides = array<i32>} : memref<1600x32xf32, #tpu.memory_space<vmem>>, vector<1x16xf32>,
        %get3A_313 = vector.shape_cast %get3A_312 : vector<1x16xf32> to vector<16xf32>
        %add3A_314 = arith.addf %get3A_313, %get3A_231 : vector<16xf32>
        %swap3A_315 = arith.index_cast %add3A_299 : i32 to index
        %swap3A_316 = arith.constant 16 : index
        %swap3A_317 = tpu.vector_load %arg7[%swap3A_315, %swap3A_316] {strides = array<i32>} : memref<1600x32xf32, #tpu.memory_space<vmem>>, vector<1x16xf32>,
        %swap3A_318 = vector.shape_cast %swap3A_317 : vector<1x16xf32> to vector<16xf32>
        %swap3A_319 = vector.shape_cast %add3A_314 : vector<16xf32> to vector<1x16xf32>
        tpu.vector_store %arg7[%swap3A_315, %swap3A_316], %swap3A_319 {strides = array<i32>} : memref<1600x32xf32, #tpu.memory_space<vmem>>, vector<1x16xf32>,
        %scan3A_320 = arith.constant 2 : i32
        %scan3A_321 = arith.addi %scan3A_127, %scan3A_320 : i32
        %get3A_322 = arith.index_cast %scan3A_321 : i32 to index
        %get3A_323 = arith.constant 0 : index
        %get3A_324 = tpu.vector_load %arg8[%get3A_322, %get3A_323] {strides = array<i32>} : memref<200x32xf32, #tpu.memory_space<vmem>>, vector<1x16xf32>,
        %get3A_325 = vector.shape_cast %get3A_324 : vector<1x16xf32> to vector<16xf32>
        %get3A_326 = arith.index_cast %scan3A_321 : i32 to index
        %get3A_327 = arith.constant 16 : index
        %get3A_328 = tpu.vector_load %arg8[%get3A_326, %get3A_327] {strides = array<i32>} : memref<200x32xf32, #tpu.memory_space<vmem>>, vector<1x16xf32>,
        %get3A_329 = vector.shape_cast %get3A_328 : vector<1x16xf32> to vector<16xf32>
        %add3A_330 = arith.constant 0 : i32
        %add3A_331 = arith.addi %add3A_330, %scan3A_321 : i32
        %get3A_332 = arith.index_cast %add3A_331 : i32 to index
        %get3A_333 = arith.constant 0 : index
        %get3A_334 = tpu.vector_load %arg7[%get3A_332, %get3A_333] {strides = array<i32>} : memref<1600x32xf32, #tpu.memory_space<vmem>>, vector<1x16xf32>,
        %get3A_335 = vector.shape_cast %get3A_334 : vector<1x16xf32> to vector<16xf32>
        %add3A_336 = arith.addf %get3A_335, %get3A_325 : vector<16xf32>
        %swap3A_337 = arith.index_cast %add3A_331 : i32 to index
        %swap3A_338 = arith.constant 0 : index
        %swap3A_339 = tpu.vector_load %arg7[%swap3A_337, %swap3A_338] {strides = array<i32>} : memref<1600x32xf32, #tpu.memory_space<vmem>>, vector<1x16xf32>,
        %swap3A_340 = vector.shape_cast %swap3A_339 : vector<1x16xf32> to vector<16xf32>
        %swap3A_341 = vector.shape_cast %add3A_336 : vector<16xf32> to vector<1x16xf32>
        tpu.vector_store %arg7[%swap3A_337, %swap3A_338], %swap3A_341 {strides = array<i32>} : memref<1600x32xf32, #tpu.memory_space<vmem>>, vector<1x16xf32>,
        %get3A_342 = arith.index_cast %add3A_331 : i32 to index
        %get3A_343 = arith.constant 16 : index
        %get3A_344 = tpu.vector_load %arg7[%get3A_342, %get3A_343] {strides = array<i32>} : memref<1600x32xf32, #tpu.memory_space<vmem>>, vector<1x16xf32>,
        %get3A_345 = vector.shape_cast %get3A_344 : vector<1x16xf32> to vector<16xf32>
        %add3A_346 = arith.addf %get3A_345, %get3A_329 : vector<16xf32>
        %swap3A_347 = arith.index_cast %add3A_331 : i32 to index
        %swap3A_348 = arith.constant 16 : index
        %swap3A_349 = tpu.vector_load %arg7[%swap3A_347, %swap3A_348] {strides = array<i32>} : memref<1600x32xf32, #tpu.memory_space<vmem>>, vector<1x16xf32>,
        %swap3A_350 = vector.shape_cast %swap3A_349 : vector<1x16xf32> to vector<16xf32>
        %swap3A_351 = vector.shape_cast %add3A_346 : vector<16xf32> to vector<1x16xf32>
        tpu.vector_store %arg7[%swap3A_347, %swap3A_348], %swap3A_351 {strides = array<i32>} : memref<1600x32xf32, #tpu.memory_space<vmem>>, vector<1x16xf32>,
        %add3A_352 = arith.constant 200 : i32
        %add3A_353 = arith.addi %add3A_352, %scan3A_321 : i32
        %get3A_354 = arith.index_cast %add3A_353 : i32 to index
        %get3A_355 = arith.constant 0 : index
        %get3A_356 = tpu.vector_load %arg7[%get3A_354, %get3A_355] {strides = array<i32>} : memref<1600x32xf32, #tpu.memory_space<vmem>>, vector<1x16xf32>,
        %get3A_357 = vector.shape_cast %get3A_356 : vector<1x16xf32> to vector<16xf32>
        %add3A_358 = arith.addf %get3A_357, %get3A_325 : vector<16xf32>
        %swap3A_359 = arith.index_cast %add3A_353 : i32 to index
        %swap3A_360 = arith.constant 0 : index
        %swap3A_361 = tpu.vector_load %arg7[%swap3A_359, %swap3A_360] {strides = array<i32>} : memref<1600x32xf32, #tpu.memory_space<vmem>>, vector<1x16xf32>,
        %swap3A_362 = vector.shape_cast %swap3A_361 : vector<1x16xf32> to vector<16xf32>
        %swap3A_363 = vector.shape_cast %add3A_358 : vector<16xf32> to vector<1x16xf32>
        tpu.vector_store %arg7[%swap3A_359, %swap3A_360], %swap3A_363 {strides = array<i32>} : memref<1600x32xf32, #tpu.memory_space<vmem>>, vector<1x16xf32>,
        %get3A_364 = arith.index_cast %add3A_353 : i32 to index
        %get3A_365 = arith.constant 16 : index
        %get3A_366 = tpu.vector_load %arg7[%get3A_364, %get3A_365] {strides = array<i32>} : memref<1600x32xf32, #tpu.memory_space<vmem>>, vector<1x16xf32>,
        %get3A_367 = vector.shape_cast %get3A_366 : vector<1x16xf32> to vector<16xf32>
        %add3A_368 = arith.addf %get3A_367, %get3A_329 : vector<16xf32>
        %swap3A_369 = arith.index_cast %add3A_353 : i32 to index
        %swap3A_370 = arith.constant 16 : index
        %swap3A_371 = tpu.vector_load %arg7[%swap3A_369, %swap3A_370] {strides = array<i32>} : memref<1600x32xf32, #tpu.memory_space<vmem>>, vector<1x16xf32>,
        %swap3A_372 = vector.shape_cast %swap3A_371 : vector<1x16xf32> to vector<16xf32>
        %swap3A_373 = vector.shape_cast %add3A_368 : vector<16xf32> to vector<1x16xf32>
        tpu.vector_store %arg7[%swap3A_369, %swap3A_370], %swap3A_373 {strides = array<i32>} : memref<1600x32xf32, #tpu.memory_space<vmem>>, vector<1x16xf32>,
        %add3A_374 = arith.constant 400 : i32
        %add3A_375 = arith.addi %add3A_374, %scan3A_321 : i32
        %get3A_376 = arith.index_cast %add3A_375 : i32 to index
        %get3A_377 = arith.constant 0 : index
        %get3A_378 = tpu.vector_load %arg7[%get3A_376, %get3A_377] {strides = array<i32>} : memref<1600x32xf32, #tpu.memory_space<vmem>>, vector<1x16xf32>,
        %get3A_379 = vector.shape_cast %get3A_378 : vector<1x16xf32> to vector<16xf32>
        %add3A_380 = arith.addf %get3A_379, %get3A_325 : vector<16xf32>
        %swap3A_381 = arith.index_cast %add3A_375 : i32 to index
        %swap3A_382 = arith.constant 0 : index
        %swap3A_383 = tpu.vector_load %arg7[%swap3A_381, %swap3A_382] {strides = array<i32>} : memref<1600x32xf32, #tpu.memory_space<vmem>>, vector<1x16xf32>,
        %swap3A_384 = vector.shape_cast %swap3A_383 : vector<1x16xf32> to vector<16xf32>
        %swap3A_385 = vector.shape_cast %add3A_380 : vector<16xf32> to vector<1x16xf32>
        tpu.vector_store %arg7[%swap3A_381, %swap3A_382], %swap3A_385 {strides = array<i32>} : memref<1600x32xf32, #tpu.memory_space<vmem>>, vector<1x16xf32>,
        %get3A_386 = arith.index_cast %add3A_375 : i32 to index
        %get3A_387 = arith.constant 16 : index
        %get3A_388 = tpu.vector_load %arg7[%get3A_386, %get3A_387] {strides = array<i32>} : memref<1600x32xf32, #tpu.memory_space<vmem>>, vector<1x16xf32>,
        %get3A_389 = vector.shape_cast %get3A_388 : vector<1x16xf32> to vector<16xf32>
        %add3A_390 = arith.addf %get3A_389, %get3A_329 : vector<16xf32>
        %swap3A_391 = arith.index_cast %add3A_375 : i32 to index
        %swap3A_392 = arith.constant 16 : index
        %swap3A_393 = tpu.vector_load %arg7[%swap3A_391, %swap3A_392] {strides = array<i32>} : memref<1600x32xf32, #tpu.memory_space<vmem>>, vector<1x16xf32>,
        %swap3A_394 = vector.shape_cast %swap3A_393 : vector<1x16xf32> to vector<16xf32>
        %swap3A_395 = vector.shape_cast %add3A_390 : vector<16xf32> to vector<1x16xf32>
        tpu.vector_store %arg7[%swap3A_391, %swap3A_392], %swap3A_395 {strides = array<i32>} : memref<1600x32xf32, #tpu.memory_space<vmem>>, vector<1x16xf32>,
        %add3A_396 = arith.constant 600 : i32
        %add3A_397 = arith.addi %add3A_396, %scan3A_321 : i32
        %get3A_398 = arith.index_cast %add3A_397 : i32 to index
        %get3A_399 = arith.constant 0 : index
        %get3A_400 = tpu.vector_load %arg7[%get3A_398, %get3A_399] {strides = array<i32>} : memref<1600x32xf32, #tpu.memory_space<vmem>>, vector<1x16xf32>,
        %get3A_401 = vector.shape_cast %get3A_400 : vector<1x16xf32> to vector<16xf32>
        %add3A_402 = arith.addf %get3A_401, %get3A_325 : vector<16xf32>
        %swap3A_403 = arith.index_cast %add3A_397 : i32 to index
        %swap3A_404 = arith.constant 0 : index
        %swap3A_405 = tpu.vector_load %arg7[%swap3A_403, %swap3A_404] {strides = array<i32>} : memref<1600x32xf32, #tpu.memory_space<vmem>>, vector<1x16xf32>,
        %swap3A_406 = vector.shape_cast %swap3A_405 : vector<1x16xf32> to vector<16xf32>
        %swap3A_407 = vector.shape_cast %add3A_402 : vector<16xf32> to vector<1x16xf32>
        tpu.vector_store %arg7[%swap3A_403, %swap3A_404], %swap3A_407 {strides = array<i32>} : memref<1600x32xf32, #tpu.memory_space<vmem>>, vector<1x16xf32>,
        %get3A_408 = arith.index_cast %add3A_397 : i32 to index
        %get3A_409 = arith.constant 16 : index
        %get3A_410 = tpu.vector_load %arg7[%get3A_408, %get3A_409] {strides = array<i32>} : memref<1600x32xf32, #tpu.memory_space<vmem>>, vector<1x16xf32>,
        %get3A_411 = vector.shape_cast %get3A_410 : vector<1x16xf32> to vector<16xf32>
        %add3A_412 = arith.addf %get3A_411, %get3A_329 : vector<16xf32>
        %swap3A_413 = arith.index_cast %add3A_397 : i32 to index
        %swap3A_414 = arith.constant 16 : index
        %swap3A_415 = tpu.vector_load %arg7[%swap3A_413, %swap3A_414] {strides = array<i32>} : memref<1600x32xf32, #tpu.memory_space<vmem>>, vector<1x16xf32>,
        %swap3A_416 = vector.shape_cast %swap3A_415 : vector<1x16xf32> to vector<16xf32>
        %swap3A_417 = vector.shape_cast %add3A_412 : vector<16xf32> to vector<1x16xf32>
        tpu.vector_store %arg7[%swap3A_413, %swap3A_414], %swap3A_417 {strides = array<i32>} : memref<1600x32xf32, #tpu.memory_space<vmem>>, vector<1x16xf32>,
        %scan3A_418 = arith.constant 3 : i32
        %scan3A_419 = arith.addi %scan3A_127, %scan3A_418 : i32
        %get3A_420 = arith.index_cast %scan3A_419 : i32 to index
        %get3A_421 = arith.constant 0 : index
        %get3A_422 = tpu.vector_load %arg8[%get3A_420, %get3A_421] {strides = array<i32>} : memref<200x32xf32, #tpu.memory_space<vmem>>, vector<1x16xf32>,
        %get3A_423 = vector.shape_cast %get3A_422 : vector<1x16xf32> to vector<16xf32>
        %get3A_424 = arith.index_cast %scan3A_419 : i32 to index
        %get3A_425 = arith.constant 16 : index
        %get3A_426 = tpu.vector_load %arg8[%get3A_424, %get3A_425] {strides = array<i32>} : memref<200x32xf32, #tpu.memory_space<vmem>>, vector<1x16xf32>,
        %get3A_427 = vector.shape_cast %get3A_426 : vector<1x16xf32> to vector<16xf32>
        %add3A_428 = arith.constant 0 : i32
        %add3A_429 = arith.addi %add3A_428, %scan3A_419 : i32
        %get3A_430 = arith.index_cast %add3A_429 : i32 to index
        %get3A_431 = arith.constant 0 : index
        %get3A_432 = tpu.vector_load %arg7[%get3A_430, %get3A_431] {strides = array<i32>} : memref<1600x32xf32, #tpu.memory_space<vmem>>, vector<1x16xf32>,
        %get3A_433 = vector.shape_cast %get3A_432 : vector<1x16xf32> to vector<16xf32>
        %add3A_434 = arith.addf %get3A_433, %get3A_423 : vector<16xf32>
        %swap3A_435 = arith.index_cast %add3A_429 : i32 to index
        %swap3A_436 = arith.constant 0 : index
        %swap3A_437 = tpu.vector_load %arg7[%swap3A_435, %swap3A_436] {strides = array<i32>} : memref<1600x32xf32, #tpu.memory_space<vmem>>, vector<1x16xf32>,
        %swap3A_438 = vector.shape_cast %swap3A_437 : vector<1x16xf32> to vector<16xf32>
        %swap3A_439 = vector.shape_cast %add3A_434 : vector<16xf32> to vector<1x16xf32>
        tpu.vector_store %arg7[%swap3A_435, %swap3A_436], %swap3A_439 {strides = array<i32>} : memref<1600x32xf32, #tpu.memory_space<vmem>>, vector<1x16xf32>,
        %get3A_440 = arith.index_cast %add3A_429 : i32 to index
        %get3A_441 = arith.constant 16 : index
        %get3A_442 = tpu.vector_load %arg7[%get3A_440, %get3A_441] {strides = array<i32>} : memref<1600x32xf32, #tpu.memory_space<vmem>>, vector<1x16xf32>,
        %get3A_443 = vector.shape_cast %get3A_442 : vector<1x16xf32> to vector<16xf32>
        %add3A_444 = arith.addf %get3A_443, %get3A_427 : vector<16xf32>
        %swap3A_445 = arith.index_cast %add3A_429 : i32 to index
        %swap3A_446 = arith.constant 16 : index
        %swap3A_447 = tpu.vector_load %arg7[%swap3A_445, %swap3A_446] {strides = array<i32>} : memref<1600x32xf32, #tpu.memory_space<vmem>>, vector<1x16xf32>,
        %swap3A_448 = vector.shape_cast %swap3A_447 : vector<1x16xf32> to vector<16xf32>
        %swap3A_449 = vector.shape_cast %add3A_444 : vector<16xf32> to vector<1x16xf32>
        tpu.vector_store %arg7[%swap3A_445, %swap3A_446], %swap3A_449 {strides = array<i32>} : memref<1600x32xf32, #tpu.memory_space<vmem>>, vector<1x16xf32>,
        %add3A_450 = arith.constant 200 : i32
        %add3A_451 = arith.addi %add3A_450, %scan3A_419 : i32
        %get3A_452 = arith.index_cast %add3A_451 : i32 to index
        %get3A_453 = arith.constant 0 : index
        %get3A_454 = tpu.vector_load %arg7[%get3A_452, %get3A_453] {strides = array<i32>} : memref<1600x32xf32, #tpu.memory_space<vmem>>, vector<1x16xf32>,
        %get3A_455 = vector.shape_cast %get3A_454 : vector<1x16xf32> to vector<16xf32>
        %add3A_456 = arith.addf %get3A_455, %get3A_423 : vector<16xf32>
        %swap3A_457 = arith.index_cast %add3A_451 : i32 to index
        %swap3A_458 = arith.constant 0 : index
        %swap3A_459 = tpu.vector_load %arg7[%swap3A_457, %swap3A_458] {strides = array<i32>} : memref<1600x32xf32, #tpu.memory_space<vmem>>, vector<1x16xf32>,
        %swap3A_460 = vector.shape_cast %swap3A_459 : vector<1x16xf32> to vector<16xf32>
        %swap3A_461 = vector.shape_cast %add3A_456 : vector<16xf32> to vector<1x16xf32>
        tpu.vector_store %arg7[%swap3A_457, %swap3A_458], %swap3A_461 {strides = array<i32>} : memref<1600x32xf32, #tpu.memory_space<vmem>>, vector<1x16xf32>,
        %get3A_462 = arith.index_cast %add3A_451 : i32 to index
        %get3A_463 = arith.constant 16 : index
        %get3A_464 = tpu.vector_load %arg7[%get3A_462, %get3A_463] {strides = array<i32>} : memref<1600x32xf32, #tpu.memory_space<vmem>>, vector<1x16xf32>,
        %get3A_465 = vector.shape_cast %get3A_464 : vector<1x16xf32> to vector<16xf32>
        %add3A_466 = arith.addf %get3A_465, %get3A_427 : vector<16xf32>
        %swap3A_467 = arith.index_cast %add3A_451 : i32 to index
        %swap3A_468 = arith.constant 16 : index
        %swap3A_469 = tpu.vector_load %arg7[%swap3A_467, %swap3A_468] {strides = array<i32>} : memref<1600x32xf32, #tpu.memory_space<vmem>>, vector<1x16xf32>,
        %swap3A_470 = vector.shape_cast %swap3A_469 : vector<1x16xf32> to vector<16xf32>
        %swap3A_471 = vector.shape_cast %add3A_466 : vector<16xf32> to vector<1x16xf32>
        tpu.vector_store %arg7[%swap3A_467, %swap3A_468], %swap3A_471 {strides = array<i32>} : memref<1600x32xf32, #tpu.memory_space<vmem>>, vector<1x16xf32>,
        %add3A_472 = arith.constant 400 : i32
        %add3A_473 = arith.addi %add3A_472, %scan3A_419 : i32
        %get3A_474 = arith.index_cast %add3A_473 : i32 to index
        %get3A_475 = arith.constant 0 : index
        %get3A_476 = tpu.vector_load %arg7[%get3A_474, %get3A_475] {strides = array<i32>} : memref<1600x32xf32, #tpu.memory_space<vmem>>, vector<1x16xf32>,
        %get3A_477 = vector.shape_cast %get3A_476 : vector<1x16xf32> to vector<16xf32>
        %add3A_478 = arith.addf %get3A_477, %get3A_423 : vector<16xf32>
        %swap3A_479 = arith.index_cast %add3A_473 : i32 to index
        %swap3A_480 = arith.constant 0 : index
        %swap3A_481 = tpu.vector_load %arg7[%swap3A_479, %swap3A_480] {strides = array<i32>} : memref<1600x32xf32, #tpu.memory_space<vmem>>, vector<1x16xf32>,
        %swap3A_482 = vector.shape_cast %swap3A_481 : vector<1x16xf32> to vector<16xf32>
        %swap3A_483 = vector.shape_cast %add3A_478 : vector<16xf32> to vector<1x16xf32>
        tpu.vector_store %arg7[%swap3A_479, %swap3A_480], %swap3A_483 {strides = array<i32>} : memref<1600x32xf32, #tpu.memory_space<vmem>>, vector<1x16xf32>,
        %get3A_484 = arith.index_cast %add3A_473 : i32 to index
        %get3A_485 = arith.constant 16 : index
        %get3A_486 = tpu.vector_load %arg7[%get3A_484, %get3A_485] {strides = array<i32>} : memref<1600x32xf32, #tpu.memory_space<vmem>>, vector<1x16xf32>,
        %get3A_487 = vector.shape_cast %get3A_486 : vector<1x16xf32> to vector<16xf32>
        %add3A_488 = arith.addf %get3A_487, %get3A_427 : vector<16xf32>
        %swap3A_489 = arith.index_cast %add3A_473 : i32 to index
        %swap3A_490 = arith.constant 16 : index
        %swap3A_491 = tpu.vector_load %arg7[%swap3A_489, %swap3A_490] {strides = array<i32>} : memref<1600x32xf32, #tpu.memory_space<vmem>>, vector<1x16xf32>,
        %swap3A_492 = vector.shape_cast %swap3A_491 : vector<1x16xf32> to vector<16xf32>
        %swap3A_493 = vector.shape_cast %add3A_488 : vector<16xf32> to vector<1x16xf32>
        tpu.vector_store %arg7[%swap3A_489, %swap3A_490], %swap3A_493 {strides = array<i32>} : memref<1600x32xf32, #tpu.memory_space<vmem>>, vector<1x16xf32>,
        %add3A_494 = arith.constant 600 : i32
        %add3A_495 = arith.addi %add3A_494, %scan3A_419 : i32
        %get3A_496 = arith.index_cast %add3A_495 : i32 to index
        %get3A_497 = arith.constant 0 : index
        %get3A_498 = tpu.vector_load %arg7[%get3A_496, %get3A_497] {strides = array<i32>} : memref<1600x32xf32, #tpu.memory_space<vmem>>, vector<1x16xf32>,
        %get3A_499 = vector.shape_cast %get3A_498 : vector<1x16xf32> to vector<16xf32>
        %add3A_500 = arith.addf %get3A_499, %get3A_423 : vector<16xf32>
        %swap3A_501 = arith.index_cast %add3A_495 : i32 to index
        %swap3A_502 = arith.constant 0 : index
        %swap3A_503 = tpu.vector_load %arg7[%swap3A_501, %swap3A_502] {strides = array<i32>} : memref<1600x32xf32, #tpu.memory_space<vmem>>, vector<1x16xf32>,
        %swap3A_504 = vector.shape_cast %swap3A_503 : vector<1x16xf32> to vector<16xf32>
        %swap3A_505 = vector.shape_cast %add3A_500 : vector<16xf32> to vector<1x16xf32>
        tpu.vector_store %arg7[%swap3A_501, %swap3A_502], %swap3A_505 {strides = array<i32>} : memref<1600x32xf32, #tpu.memory_space<vmem>>, vector<1x16xf32>,
        %get3A_506 = arith.index_cast %add3A_495 : i32 to index
        %get3A_507 = arith.constant 16 : index
        %get3A_508 = tpu.vector_load %arg7[%get3A_506, %get3A_507] {strides = array<i32>} : memref<1600x32xf32, #tpu.memory_space<vmem>>, vector<1x16xf32>,
        %get3A_509 = vector.shape_cast %get3A_508 : vector<1x16xf32> to vector<16xf32>
        %add3A_510 = arith.addf %get3A_509, %get3A_427 : vector<16xf32>
        %swap3A_511 = arith.index_cast %add3A_495 : i32 to index
        %swap3A_512 = arith.constant 16 : index
        %swap3A_513 = tpu.vector_load %arg7[%swap3A_511, %swap3A_512] {strides = array<i32>} : memref<1600x32xf32, #tpu.memory_space<vmem>>, vector<1x16xf32>,
        %swap3A_514 = vector.shape_cast %swap3A_513 : vector<1x16xf32> to vector<16xf32>
        %swap3A_515 = vector.shape_cast %add3A_510 : vector<16xf32> to vector<1x16xf32>
        tpu.vector_store %arg7[%swap3A_511, %swap3A_512], %swap3A_515 {strides = array<i32>} : memref<1600x32xf32, #tpu.memory_space<vmem>>, vector<1x16xf32>,
      }
      %scan3A_62 = arith.constant 200 : i32
      %mul3A_63 = arith.constant 800 : i32
      %mul3A_64 = arith.muli %add3A_36, %mul3A_63 : i32
      %add3A_65 = arith.addi %mul3A_2, %mul3A_64 : i32
      %dma_start3A_66 = arith.constant 0 : i32
      %dma_start3A_67 = arith.constant 0 : i32
      %dma_start3A_68 = arith.constant 0 : i32
      %dma_start3A_69 = tpu.memref_slice %arg7[%dma_start3A_67, %dma_start3A_68] : memref<1600x32xf32, #tpu.memory_space<vmem>> -> memref<800x32xf32, #tpu.memory_space<vmem>>
      %dma_start3A_70 = arith.constant 0 : i32
      %dma_start3A_71 = tpu.memref_slice %arg5[%add3A_65, %dma_start3A_70] : memref<819200x128xf32, #tpu.memory_space<hbm>> -> memref<800x32xf32, #tpu.memory_space<hbm>>
      %dma_start3A_72 = tpu.memref_slice %arg10[%dma_start3A_66] : memref<2x!tpu.dma_semaphore, #tpu.memory_space<semaphore_mem>> -> memref<1x!tpu.dma_semaphore, #tpu.memory_space<semaphore_mem>>
      %dma_start3A_73 = tpu.memref_squeeze %dma_start3A_72 : memref<1x!tpu.dma_semaphore, #tpu.memory_space<semaphore_mem>> -> memref<!tpu.dma_semaphore, #tpu.memory_space<semaphore_mem>>
      %dma_start3A_74 = arith.constant 0 : i32
      %dma_start3A_75 = tpu.memref_slice %arg5[%add3A_65, %dma_start3A_74] : memref<819200x128xf32, #tpu.memory_space<hbm>> -> memref<800x32xf32, #tpu.memory_space<hbm>>
      %dma_start3A_76 = arith.constant 0 : i32
      %dma_start3A_77 = arith.constant 0 : i32
      %dma_start3A_78 = tpu.memref_slice %arg7[%dma_start3A_76, %dma_start3A_77] : memref<1600x32xf32, #tpu.memory_space<vmem>> -> memref<800x32xf32, #tpu.memory_space<vmem>>
      tpu.enqueue_dma source(%dma_start3A_78 : memref<800x32xf32, #tpu.memory_space<vmem>>) target(%dma_start3A_75 : memref<800x32xf32, #tpu.memory_space<hbm>>) target_semaphore(%dma_start3A_73 : memref<!tpu.dma_semaphore, #tpu.memory_space<semaphore_mem>>)
      %add3A_79 = arith.constant 1 : i32
      %add3A_80 = arith.addi %mul3A_34, %add3A_79 : i32
      %mul3A_81 = arith.constant 800 : i32
      %mul3A_82 = arith.muli %add3A_80, %mul3A_81 : i32
      %dma_wait3A_83 = arith.constant 1 : i32
      %dma_wait3A_84 = arith.constant 800 : i32
      %dma_wait3A_85 = arith.constant 0 : i32
      %dma_wait3A_86 = tpu.memref_slice %arg7[%dma_wait3A_84, %dma_wait3A_85] : memref<1600x32xf32, #tpu.memory_space<vmem>> -> memref<800x32xf32, #tpu.memory_space<vmem>>
      %dma_wait3A_87 = tpu.memref_slice %arg6[%mul3A_82] : memref<25600xi32, #tpu.memory_space<vmem>> -> memref<800xi32, #tpu.memory_space<vmem>>
      %dma_wait3A_88 = arith.constant 0 : i32
      %dma_wait3A_89 = arith.constant 0 : i32
      %dma_wait3A_90 = tpu.memref_slice %arg3[%dma_wait3A_88, %dma_wait3A_89] : memref<4000000x32xf32, #tpu.memory_space<hbm>> -> memref<4000000x32xf32, #tpu.memory_space<hbm>>
      %dma_wait3A_91 = tpu.memref_slice %arg9[%dma_wait3A_83] : memref<2x!tpu.dma_semaphore, #tpu.memory_space<semaphore_mem>> -> memref<1x!tpu.dma_semaphore, #tpu.memory_space<semaphore_mem>>
      %dma_wait3A_92 = tpu.memref_squeeze %dma_wait3A_91 : memref<1x!tpu.dma_semaphore, #tpu.memory_space<semaphore_mem>> -> memref<!tpu.dma_semaphore, #tpu.memory_space<semaphore_mem>>
      tpu.wait_indirect_dma semaphore(%dma_wait3A_92 : memref<!tpu.dma_semaphore, #tpu.memory_space<semaphore_mem>>) src(%dma_wait3A_90 : memref<4000000x32xf32, #tpu.memory_space<hbm>>) dst(%dma_wait3A_86 : memref<800x32xf32, #tpu.memory_space<vmem>>)
      %ge3A_93 = arith.constant 1 : i32
      %ge3A_94 = arith.cmpi sge, %add3A_80, %ge3A_93 : i32
      %convert_element_type3A_95 = arith.extui %ge3A_94 : i1 to i32
      %cond3A_96 = arith.constant 0 : i32
      %cond3A_97 = arith.cmpi ne, %convert_element_type3A_95, %cond3A_96 : i32
      scf.if %cond3A_97 {
        %sub3A = arith.constant 1 : i32
        %sub3A_127 = arith.subi %add3A_80, %sub3A : i32
        %mul3A_128 = arith.constant 800 : i32
        %mul3A_129 = arith.muli %sub3A_127, %mul3A_128 : i32
        %add3A_130 = arith.addi %mul3A_2, %mul3A_129 : i32
        %dma_wait3A_131 = arith.constant 0 : i32
        %dma_wait3A_132 = arith.constant 0 : i32
        %dma_wait3A_133 = arith.constant 0 : i32
        %dma_wait3A_134 = tpu.memref_slice %arg7[%dma_wait3A_132, %dma_wait3A_133] : memref<1600x32xf32, #tpu.memory_space<vmem>> -> memref<800x32xf32, #tpu.memory_space<vmem>>
        %dma_wait3A_135 = arith.constant 0 : i32
        %dma_wait3A_136 = tpu.memref_slice %arg5[%add3A_130, %dma_wait3A_135] : memref<819200x128xf32, #tpu.memory_space<hbm>> -> memref<800x32xf32, #tpu.memory_space<hbm>>
        %dma_wait3A_137 = tpu.memref_slice %arg10[%dma_wait3A_131] : memref<2x!tpu.dma_semaphore, #tpu.memory_space<semaphore_mem>> -> memref<1x!tpu.dma_semaphore, #tpu.memory_space<semaphore_mem>>
        %dma_wait3A_138 = tpu.memref_squeeze %dma_wait3A_137 : memref<1x!tpu.dma_semaphore, #tpu.memory_space<semaphore_mem>> -> memref<!tpu.dma_semaphore, #tpu.memory_space<semaphore_mem>>
        %dma_wait3A_139 = arith.constant 0 : i32
        %dma_wait3A_140 = tpu.memref_slice %arg5[%add3A_130, %dma_wait3A_139] : memref<819200x128xf32, #tpu.memory_space<hbm>> -> memref<800x32xf32, #tpu.memory_space<hbm>>
        %dma_wait3A_141 = arith.constant 0 : i32
        %dma_wait3A_142 = arith.constant 0 : i32
        %dma_wait3A_143 = tpu.memref_slice %arg7[%dma_wait3A_141, %dma_wait3A_142] : memref<1600x32xf32, #tpu.memory_space<vmem>> -> memref<800x32xf32, #tpu.memory_space<vmem>>
        tpu.wait_dma2 semaphore(%dma_wait3A_138 : memref<!tpu.dma_semaphore, #tpu.memory_space<semaphore_mem>>) src(%dma_wait3A_143 : memref<800x32xf32, #tpu.memory_space<vmem>>) dst(%dma_wait3A_140 : memref<800x32xf32, #tpu.memory_space<hbm>>)
      } else {
      }
      %add3A_98 = arith.constant 1 : i32
      %add3A_99 = arith.addi %add3A_80, %add3A_98 : i32
      %lt3A_100 = arith.constant 32 : i32
      %lt3A_101 = arith.cmpi slt, %add3A_99, %lt3A_100 : i32
      %convert_element_type3A_102 = arith.extui %lt3A_101 : i1 to i32
      %cond3A_103 = arith.constant 0 : i32
      %cond3A_104 = arith.cmpi ne, %convert_element_type3A_102, %cond3A_103 : i32
      scf.if %cond3A_104 {
        %add3A_127 = arith.constant 1 : i32
        %add3A_128 = arith.addi %add3A_80, %add3A_127 : i32
        %mul3A_129 = arith.constant 800 : i32
        %mul3A_130 = arith.muli %add3A_128, %mul3A_129 : i32
        %dma_start3A_131 = arith.constant 0 : i32
        %dma_start3A_132 = arith.constant 0 : i32
        %dma_start3A_133 = arith.constant 0 : i32
        %dma_start3A_134 = tpu.memref_slice %arg7[%dma_start3A_132, %dma_start3A_133] : memref<1600x32xf32, #tpu.memory_space<vmem>> -> memref<800x32xf32, #tpu.memory_space<vmem>>
        %dma_start3A_135 = tpu.memref_slice %arg6[%mul3A_130] : memref<25600xi32, #tpu.memory_space<vmem>> -> memref<800xi32, #tpu.memory_space<vmem>>
        %dma_start3A_136 = arith.constant 0 : i32
        %dma_start3A_137 = arith.constant 0 : i32
        %dma_start3A_138 = tpu.memref_slice %arg3[%dma_start3A_136, %dma_start3A_137] : memref<4000000x32xf32, #tpu.memory_space<hbm>> -> memref<4000000x32xf32, #tpu.memory_space<hbm>>
        %dma_start3A_139 = tpu.memref_slice %arg9[%dma_start3A_131] : memref<2x!tpu.dma_semaphore, #tpu.memory_space<semaphore_mem>> -> memref<1x!tpu.dma_semaphore, #tpu.memory_space<semaphore_mem>>
        %dma_start3A_140 = tpu.memref_squeeze %dma_start3A_139 : memref<1x!tpu.dma_semaphore, #tpu.memory_space<semaphore_mem>> -> memref<!tpu.dma_semaphore, #tpu.memory_space<semaphore_mem>>
        tpu.enqueue_indirect_dma source(%dma_start3A_138 : memref<4000000x32xf32, #tpu.memory_space<hbm>>) target(%dma_start3A_134 : memref<800x32xf32, #tpu.memory_space<vmem>>) offsets(%dma_start3A_135 : memref<800xi32, #tpu.memory_space<vmem>>) semaphore(%dma_start3A_140 : memref<!tpu.dma_semaphore, #tpu.memory_space<semaphore_mem>>)
      } else {
      }
      %scan3A_105 = arith.constant 0 : i32
      %scan3A_106 = arith.constant 0 : i32
      %scan3A_107 = arith.constant 200 : i32
      %scan3A_108 = arith.addi %scan3A_106, %scan3A_107 : i32
      %scan3A_109 = arith.constant 4 : i32
      scf.for %scan3A_127 = %scan3A_106 to %scan3A_108 step %scan3A_109  : i32 {
        %get3A = arith.index_cast %scan3A_127 : i32 to index
        %get3A_128 = arith.constant 0 : index
        %get3A_129 = tpu.vector_load %arg8[%get3A, %get3A_128] {strides = array<i32>} : memref<200x32xf32, #tpu.memory_space<vmem>>, vector<1x16xf32>,
        %get3A_130 = vector.shape_cast %get3A_129 : vector<1x16xf32> to vector<16xf32>
        %get3A_131 = arith.index_cast %scan3A_127 : i32 to index
        %get3A_132 = arith.constant 16 : index
        %get3A_133 = tpu.vector_load %arg8[%get3A_131, %get3A_132] {strides = array<i32>} : memref<200x32xf32, #tpu.memory_space<vmem>>, vector<1x16xf32>,
        %get3A_134 = vector.shape_cast %get3A_133 : vector<1x16xf32> to vector<16xf32>
        %add3A_135 = arith.constant 800 : i32
        %add3A_136 = arith.addi %add3A_135, %scan3A_127 : i32
        %get3A_137 = arith.index_cast %add3A_136 : i32 to index
        %get3A_138 = arith.constant 0 : index
        %get3A_139 = tpu.vector_load %arg7[%get3A_137, %get3A_138] {strides = array<i32>} : memref<1600x32xf32, #tpu.memory_space<vmem>>, vector<1x16xf32>,
        %get3A_140 = vector.shape_cast %get3A_139 : vector<1x16xf32> to vector<16xf32>
        %add3A_141 = arith.addf %get3A_140, %get3A_130 : vector<16xf32>
        %swap3A = arith.index_cast %add3A_136 : i32 to index
        %swap3A_142 = arith.constant 0 : index
        %swap3A_143 = tpu.vector_load %arg7[%swap3A, %swap3A_142] {strides = array<i32>} : memref<1600x32xf32, #tpu.memory_space<vmem>>, vector<1x16xf32>,
        %swap3A_144 = vector.shape_cast %swap3A_143 : vector<1x16xf32> to vector<16xf32>
        %swap3A_145 = vector.shape_cast %add3A_141 : vector<16xf32> to vector<1x16xf32>
        tpu.vector_store %arg7[%swap3A, %swap3A_142], %swap3A_145 {strides = array<i32>} : memref<1600x32xf32, #tpu.memory_space<vmem>>, vector<1x16xf32>,
        %get3A_146 = arith.index_cast %add3A_136 : i32 to index
        %get3A_147 = arith.constant 16 : index
        %get3A_148 = tpu.vector_load %arg7[%get3A_146, %get3A_147] {strides = array<i32>} : memref<1600x32xf32, #tpu.memory_space<vmem>>, vector<1x16xf32>,
        %get3A_149 = vector.shape_cast %get3A_148 : vector<1x16xf32> to vector<16xf32>
        %add3A_150 = arith.addf %get3A_149, %get3A_134 : vector<16xf32>
        %swap3A_151 = arith.index_cast %add3A_136 : i32 to index
        %swap3A_152 = arith.constant 16 : index
        %swap3A_153 = tpu.vector_load %arg7[%swap3A_151, %swap3A_152] {strides = array<i32>} : memref<1600x32xf32, #tpu.memory_space<vmem>>, vector<1x16xf32>,
        %swap3A_154 = vector.shape_cast %swap3A_153 : vector<1x16xf32> to vector<16xf32>
        %swap3A_155 = vector.shape_cast %add3A_150 : vector<16xf32> to vector<1x16xf32>
        tpu.vector_store %arg7[%swap3A_151, %swap3A_152], %swap3A_155 {strides = array<i32>} : memref<1600x32xf32, #tpu.memory_space<vmem>>, vector<1x16xf32>,
        %add3A_156 = arith.constant 1000 : i32
        %add3A_157 = arith.addi %add3A_156, %scan3A_127 : i32
        %get3A_158 = arith.index_cast %add3A_157 : i32 to index
        %get3A_159 = arith.constant 0 : index
        %get3A_160 = tpu.vector_load %arg7[%get3A_158, %get3A_159] {strides = array<i32>} : memref<1600x32xf32, #tpu.memory_space<vmem>>, vector<1x16xf32>,
        %get3A_161 = vector.shape_cast %get3A_160 : vector<1x16xf32> to vector<16xf32>
        %add3A_162 = arith.addf %get3A_161, %get3A_130 : vector<16xf32>
        %swap3A_163 = arith.index_cast %add3A_157 : i32 to index
        %swap3A_164 = arith.constant 0 : index
        %swap3A_165 = tpu.vector_load %arg7[%swap3A_163, %swap3A_164] {strides = array<i32>} : memref<1600x32xf32, #tpu.memory_space<vmem>>, vector<1x16xf32>,
        %swap3A_166 = vector.shape_cast %swap3A_165 : vector<1x16xf32> to vector<16xf32>
        %swap3A_167 = vector.shape_cast %add3A_162 : vector<16xf32> to vector<1x16xf32>
        tpu.vector_store %arg7[%swap3A_163, %swap3A_164], %swap3A_167 {strides = array<i32>} : memref<1600x32xf32, #tpu.memory_space<vmem>>, vector<1x16xf32>,
        %get3A_168 = arith.index_cast %add3A_157 : i32 to index
        %get3A_169 = arith.constant 16 : index
        %get3A_170 = tpu.vector_load %arg7[%get3A_168, %get3A_169] {strides = array<i32>} : memref<1600x32xf32, #tpu.memory_space<vmem>>, vector<1x16xf32>,
        %get3A_171 = vector.shape_cast %get3A_170 : vector<1x16xf32> to vector<16xf32>
        %add3A_172 = arith.addf %get3A_171, %get3A_134 : vector<16xf32>
        %swap3A_173 = arith.index_cast %add3A_157 : i32 to index
        %swap3A_174 = arith.constant 16 : index
        %swap3A_175 = tpu.vector_load %arg7[%swap3A_173, %swap3A_174] {strides = array<i32>} : memref<1600x32xf32, #tpu.memory_space<vmem>>, vector<1x16xf32>,
        %swap3A_176 = vector.shape_cast %swap3A_175 : vector<1x16xf32> to vector<16xf32>
        %swap3A_177 = vector.shape_cast %add3A_172 : vector<16xf32> to vector<1x16xf32>
        tpu.vector_store %arg7[%swap3A_173, %swap3A_174], %swap3A_177 {strides = array<i32>} : memref<1600x32xf32, #tpu.memory_space<vmem>>, vector<1x16xf32>,
        %add3A_178 = arith.constant 1200 : i32
        %add3A_179 = arith.addi %add3A_178, %scan3A_127 : i32
        %get3A_180 = arith.index_cast %add3A_179 : i32 to index
        %get3A_181 = arith.constant 0 : index
        %get3A_182 = tpu.vector_load %arg7[%get3A_180, %get3A_181] {strides = array<i32>} : memref<1600x32xf32, #tpu.memory_space<vmem>>, vector<1x16xf32>,
        %get3A_183 = vector.shape_cast %get3A_182 : vector<1x16xf32> to vector<16xf32>
        %add3A_184 = arith.addf %get3A_183, %get3A_130 : vector<16xf32>
        %swap3A_185 = arith.index_cast %add3A_179 : i32 to index
        %swap3A_186 = arith.constant 0 : index
        %swap3A_187 = tpu.vector_load %arg7[%swap3A_185, %swap3A_186] {strides = array<i32>} : memref<1600x32xf32, #tpu.memory_space<vmem>>, vector<1x16xf32>,
        %swap3A_188 = vector.shape_cast %swap3A_187 : vector<1x16xf32> to vector<16xf32>
        %swap3A_189 = vector.shape_cast %add3A_184 : vector<16xf32> to vector<1x16xf32>
        tpu.vector_store %arg7[%swap3A_185, %swap3A_186], %swap3A_189 {strides = array<i32>} : memref<1600x32xf32, #tpu.memory_space<vmem>>, vector<1x16xf32>,
        %get3A_190 = arith.index_cast %add3A_179 : i32 to index
        %get3A_191 = arith.constant 16 : index
        %get3A_192 = tpu.vector_load %arg7[%get3A_190, %get3A_191] {strides = array<i32>} : memref<1600x32xf32, #tpu.memory_space<vmem>>, vector<1x16xf32>,
        %get3A_193 = vector.shape_cast %get3A_192 : vector<1x16xf32> to vector<16xf32>
        %add3A_194 = arith.addf %get3A_193, %get3A_134 : vector<16xf32>
        %swap3A_195 = arith.index_cast %add3A_179 : i32 to index
        %swap3A_196 = arith.constant 16 : index
        %swap3A_197 = tpu.vector_load %arg7[%swap3A_195, %swap3A_196] {strides = array<i32>} : memref<1600x32xf32, #tpu.memory_space<vmem>>, vector<1x16xf32>,
        %swap3A_198 = vector.shape_cast %swap3A_197 : vector<1x16xf32> to vector<16xf32>
        %swap3A_199 = vector.shape_cast %add3A_194 : vector<16xf32> to vector<1x16xf32>
        tpu.vector_store %arg7[%swap3A_195, %swap3A_196], %swap3A_199 {strides = array<i32>} : memref<1600x32xf32, #tpu.memory_space<vmem>>, vector<1x16xf32>,
        %add3A_200 = arith.constant 1400 : i32
        %add3A_201 = arith.addi %add3A_200, %scan3A_127 : i32
        %get3A_202 = arith.index_cast %add3A_201 : i32 to index
        %get3A_203 = arith.constant 0 : index
        %get3A_204 = tpu.vector_load %arg7[%get3A_202, %get3A_203] {strides = array<i32>} : memref<1600x32xf32, #tpu.memory_space<vmem>>, vector<1x16xf32>,
        %get3A_205 = vector.shape_cast %get3A_204 : vector<1x16xf32> to vector<16xf32>
        %add3A_206 = arith.addf %get3A_205, %get3A_130 : vector<16xf32>
        %swap3A_207 = arith.index_cast %add3A_201 : i32 to index
        %swap3A_208 = arith.constant 0 : index
        %swap3A_209 = tpu.vector_load %arg7[%swap3A_207, %swap3A_208] {strides = array<i32>} : memref<1600x32xf32, #tpu.memory_space<vmem>>, vector<1x16xf32>,
        %swap3A_210 = vector.shape_cast %swap3A_209 : vector<1x16xf32> to vector<16xf32>
        %swap3A_211 = vector.shape_cast %add3A_206 : vector<16xf32> to vector<1x16xf32>
        tpu.vector_store %arg7[%swap3A_207, %swap3A_208], %swap3A_211 {strides = array<i32>} : memref<1600x32xf32, #tpu.memory_space<vmem>>, vector<1x16xf32>,
        %get3A_212 = arith.index_cast %add3A_201 : i32 to index
        %get3A_213 = arith.constant 16 : index
        %get3A_214 = tpu.vector_load %arg7[%get3A_212, %get3A_213] {strides = array<i32>} : memref<1600x32xf32, #tpu.memory_space<vmem>>, vector<1x16xf32>,
        %get3A_215 = vector.shape_cast %get3A_214 : vector<1x16xf32> to vector<16xf32>
        %add3A_216 = arith.addf %get3A_215, %get3A_134 : vector<16xf32>
        %swap3A_217 = arith.index_cast %add3A_201 : i32 to index
        %swap3A_218 = arith.constant 16 : index
        %swap3A_219 = tpu.vector_load %arg7[%swap3A_217, %swap3A_218] {strides = array<i32>} : memref<1600x32xf32, #tpu.memory_space<vmem>>, vector<1x16xf32>,
        %swap3A_220 = vector.shape_cast %swap3A_219 : vector<1x16xf32> to vector<16xf32>
        %swap3A_221 = vector.shape_cast %add3A_216 : vector<16xf32> to vector<1x16xf32>
        tpu.vector_store %arg7[%swap3A_217, %swap3A_218], %swap3A_221 {strides = array<i32>} : memref<1600x32xf32, #tpu.memory_space<vmem>>, vector<1x16xf32>,
        %scan3A_222 = arith.constant 1 : i32
        %scan3A_223 = arith.addi %scan3A_127, %scan3A_222 : i32
        %get3A_224 = arith.index_cast %scan3A_223 : i32 to index
        %get3A_225 = arith.constant 0 : index
        %get3A_226 = tpu.vector_load %arg8[%get3A_224, %get3A_225] {strides = array<i32>} : memref<200x32xf32, #tpu.memory_space<vmem>>, vector<1x16xf32>,
        %get3A_227 = vector.shape_cast %get3A_226 : vector<1x16xf32> to vector<16xf32>
        %get3A_228 = arith.index_cast %scan3A_223 : i32 to index
        %get3A_229 = arith.constant 16 : index
        %get3A_230 = tpu.vector_load %arg8[%get3A_228, %get3A_229] {strides = array<i32>} : memref<200x32xf32, #tpu.memory_space<vmem>>, vector<1x16xf32>,
        %get3A_231 = vector.shape_cast %get3A_230 : vector<1x16xf32> to vector<16xf32>
        %add3A_232 = arith.constant 800 : i32
        %add3A_233 = arith.addi %add3A_232, %scan3A_223 : i32
        %get3A_234 = arith.index_cast %add3A_233 : i32 to index
        %get3A_235 = arith.constant 0 : index
        %get3A_236 = tpu.vector_load %arg7[%get3A_234, %get3A_235] {strides = array<i32>} : memref<1600x32xf32, #tpu.memory_space<vmem>>, vector<1x16xf32>,
        %get3A_237 = vector.shape_cast %get3A_236 : vector<1x16xf32> to vector<16xf32>
        %add3A_238 = arith.addf %get3A_237, %get3A_227 : vector<16xf32>
        %swap3A_239 = arith.index_cast %add3A_233 : i32 to index
        %swap3A_240 = arith.constant 0 : index
        %swap3A_241 = tpu.vector_load %arg7[%swap3A_239, %swap3A_240] {strides = array<i32>} : memref<1600x32xf32, #tpu.memory_space<vmem>>, vector<1x16xf32>,
        %swap3A_242 = vector.shape_cast %swap3A_241 : vector<1x16xf32> to vector<16xf32>
        %swap3A_243 = vector.shape_cast %add3A_238 : vector<16xf32> to vector<1x16xf32>
        tpu.vector_store %arg7[%swap3A_239, %swap3A_240], %swap3A_243 {strides = array<i32>} : memref<1600x32xf32, #tpu.memory_space<vmem>>, vector<1x16xf32>,
        %get3A_244 = arith.index_cast %add3A_233 : i32 to index
        %get3A_245 = arith.constant 16 : index
        %get3A_246 = tpu.vector_load %arg7[%get3A_244, %get3A_245] {strides = array<i32>} : memref<1600x32xf32, #tpu.memory_space<vmem>>, vector<1x16xf32>,
        %get3A_247 = vector.shape_cast %get3A_246 : vector<1x16xf32> to vector<16xf32>
        %add3A_248 = arith.addf %get3A_247, %get3A_231 : vector<16xf32>
        %swap3A_249 = arith.index_cast %add3A_233 : i32 to index
        %swap3A_250 = arith.constant 16 : index
        %swap3A_251 = tpu.vector_load %arg7[%swap3A_249, %swap3A_250] {strides = array<i32>} : memref<1600x32xf32, #tpu.memory_space<vmem>>, vector<1x16xf32>,
        %swap3A_252 = vector.shape_cast %swap3A_251 : vector<1x16xf32> to vector<16xf32>
        %swap3A_253 = vector.shape_cast %add3A_248 : vector<16xf32> to vector<1x16xf32>
        tpu.vector_store %arg7[%swap3A_249, %swap3A_250], %swap3A_253 {strides = array<i32>} : memref<1600x32xf32, #tpu.memory_space<vmem>>, vector<1x16xf32>,
        %add3A_254 = arith.constant 1000 : i32
        %add3A_255 = arith.addi %add3A_254, %scan3A_223 : i32
        %get3A_256 = arith.index_cast %add3A_255 : i32 to index
        %get3A_257 = arith.constant 0 : index
        %get3A_258 = tpu.vector_load %arg7[%get3A_256, %get3A_257] {strides = array<i32>} : memref<1600x32xf32, #tpu.memory_space<vmem>>, vector<1x16xf32>,
        %get3A_259 = vector.shape_cast %get3A_258 : vector<1x16xf32> to vector<16xf32>
        %add3A_260 = arith.addf %get3A_259, %get3A_227 : vector<16xf32>
        %swap3A_261 = arith.index_cast %add3A_255 : i32 to index
        %swap3A_262 = arith.constant 0 : index
        %swap3A_263 = tpu.vector_load %arg7[%swap3A_261, %swap3A_262] {strides = array<i32>} : memref<1600x32xf32, #tpu.memory_space<vmem>>, vector<1x16xf32>,
        %swap3A_264 = vector.shape_cast %swap3A_263 : vector<1x16xf32> to vector<16xf32>
        %swap3A_265 = vector.shape_cast %add3A_260 : vector<16xf32> to vector<1x16xf32>
        tpu.vector_store %arg7[%swap3A_261, %swap3A_262], %swap3A_265 {strides = array<i32>} : memref<1600x32xf32, #tpu.memory_space<vmem>>, vector<1x16xf32>,
        %get3A_266 = arith.index_cast %add3A_255 : i32 to index
        %get3A_267 = arith.constant 16 : index
        %get3A_268 = tpu.vector_load %arg7[%get3A_266, %get3A_267] {strides = array<i32>} : memref<1600x32xf32, #tpu.memory_space<vmem>>, vector<1x16xf32>,
        %get3A_269 = vector.shape_cast %get3A_268 : vector<1x16xf32> to vector<16xf32>
        %add3A_270 = arith.addf %get3A_269, %get3A_231 : vector<16xf32>
        %swap3A_271 = arith.index_cast %add3A_255 : i32 to index
        %swap3A_272 = arith.constant 16 : index
        %swap3A_273 = tpu.vector_load %arg7[%swap3A_271, %swap3A_272] {strides = array<i32>} : memref<1600x32xf32, #tpu.memory_space<vmem>>, vector<1x16xf32>,
        %swap3A_274 = vector.shape_cast %swap3A_273 : vector<1x16xf32> to vector<16xf32>
        %swap3A_275 = vector.shape_cast %add3A_270 : vector<16xf32> to vector<1x16xf32>
        tpu.vector_store %arg7[%swap3A_271, %swap3A_272], %swap3A_275 {strides = array<i32>} : memref<1600x32xf32, #tpu.memory_space<vmem>>, vector<1x16xf32>,
        %add3A_276 = arith.constant 1200 : i32
        %add3A_277 = arith.addi %add3A_276, %scan3A_223 : i32
        %get3A_278 = arith.index_cast %add3A_277 : i32 to index
        %get3A_279 = arith.constant 0 : index
        %get3A_280 = tpu.vector_load %arg7[%get3A_278, %get3A_279] {strides = array<i32>} : memref<1600x32xf32, #tpu.memory_space<vmem>>, vector<1x16xf32>,
        %get3A_281 = vector.shape_cast %get3A_280 : vector<1x16xf32> to vector<16xf32>
        %add3A_282 = arith.addf %get3A_281, %get3A_227 : vector<16xf32>
        %swap3A_283 = arith.index_cast %add3A_277 : i32 to index
        %swap3A_284 = arith.constant 0 : index
        %swap3A_285 = tpu.vector_load %arg7[%swap3A_283, %swap3A_284] {strides = array<i32>} : memref<1600x32xf32, #tpu.memory_space<vmem>>, vector<1x16xf32>,
        %swap3A_286 = vector.shape_cast %swap3A_285 : vector<1x16xf32> to vector<16xf32>
        %swap3A_287 = vector.shape_cast %add3A_282 : vector<16xf32> to vector<1x16xf32>
        tpu.vector_store %arg7[%swap3A_283, %swap3A_284], %swap3A_287 {strides = array<i32>} : memref<1600x32xf32, #tpu.memory_space<vmem>>, vector<1x16xf32>,
        %get3A_288 = arith.index_cast %add3A_277 : i32 to index
        %get3A_289 = arith.constant 16 : index
        %get3A_290 = tpu.vector_load %arg7[%get3A_288, %get3A_289] {strides = array<i32>} : memref<1600x32xf32, #tpu.memory_space<vmem>>, vector<1x16xf32>,
        %get3A_291 = vector.shape_cast %get3A_290 : vector<1x16xf32> to vector<16xf32>
        %add3A_292 = arith.addf %get3A_291, %get3A_231 : vector<16xf32>
        %swap3A_293 = arith.index_cast %add3A_277 : i32 to index
        %swap3A_294 = arith.constant 16 : index
        %swap3A_295 = tpu.vector_load %arg7[%swap3A_293, %swap3A_294] {strides = array<i32>} : memref<1600x32xf32, #tpu.memory_space<vmem>>, vector<1x16xf32>,
        %swap3A_296 = vector.shape_cast %swap3A_295 : vector<1x16xf32> to vector<16xf32>
        %swap3A_297 = vector.shape_cast %add3A_292 : vector<16xf32> to vector<1x16xf32>
        tpu.vector_store %arg7[%swap3A_293, %swap3A_294], %swap3A_297 {strides = array<i32>} : memref<1600x32xf32, #tpu.memory_space<vmem>>, vector<1x16xf32>,
        %add3A_298 = arith.constant 1400 : i32
        %add3A_299 = arith.addi %add3A_298, %scan3A_223 : i32
        %get3A_300 = arith.index_cast %add3A_299 : i32 to index
        %get3A_301 = arith.constant 0 : index
        %get3A_302 = tpu.vector_load %arg7[%get3A_300, %get3A_301] {strides = array<i32>} : memref<1600x32xf32, #tpu.memory_space<vmem>>, vector<1x16xf32>,
        %get3A_303 = vector.shape_cast %get3A_302 : vector<1x16xf32> to vector<16xf32>
        %add3A_304 = arith.addf %get3A_303, %get3A_227 : vector<16xf32>
        %swap3A_305 = arith.index_cast %add3A_299 : i32 to index
        %swap3A_306 = arith.constant 0 : index
        %swap3A_307 = tpu.vector_load %arg7[%swap3A_305, %swap3A_306] {strides = array<i32>} : memref<1600x32xf32, #tpu.memory_space<vmem>>, vector<1x16xf32>,
        %swap3A_308 = vector.shape_cast %swap3A_307 : vector<1x16xf32> to vector<16xf32>
        %swap3A_309 = vector.shape_cast %add3A_304 : vector<16xf32> to vector<1x16xf32>
        tpu.vector_store %arg7[%swap3A_305, %swap3A_306], %swap3A_309 {strides = array<i32>} : memref<1600x32xf32, #tpu.memory_space<vmem>>, vector<1x16xf32>,
        %get3A_310 = arith.index_cast %add3A_299 : i32 to index
        %get3A_311 = arith.constant 16 : index
        %get3A_312 = tpu.vector_load %arg7[%get3A_310, %get3A_311] {strides = array<i32>} : memref<1600x32xf32, #tpu.memory_space<vmem>>, vector<1x16xf32>,
        %get3A_313 = vector.shape_cast %get3A_312 : vector<1x16xf32> to vector<16xf32>
        %add3A_314 = arith.addf %get3A_313, %get3A_231 : vector<16xf32>
        %swap3A_315 = arith.index_cast %add3A_299 : i32 to index
        %swap3A_316 = arith.constant 16 : index
        %swap3A_317 = tpu.vector_load %arg7[%swap3A_315, %swap3A_316] {strides = array<i32>} : memref<1600x32xf32, #tpu.memory_space<vmem>>, vector<1x16xf32>,
        %swap3A_318 = vector.shape_cast %swap3A_317 : vector<1x16xf32> to vector<16xf32>
        %swap3A_319 = vector.shape_cast %add3A_314 : vector<16xf32> to vector<1x16xf32>
        tpu.vector_store %arg7[%swap3A_315, %swap3A_316], %swap3A_319 {strides = array<i32>} : memref<1600x32xf32, #tpu.memory_space<vmem>>, vector<1x16xf32>,
        %scan3A_320 = arith.constant 2 : i32
        %scan3A_321 = arith.addi %scan3A_127, %scan3A_320 : i32
        %get3A_322 = arith.index_cast %scan3A_321 : i32 to index
        %get3A_323 = arith.constant 0 : index
        %get3A_324 = tpu.vector_load %arg8[%get3A_322, %get3A_323] {strides = array<i32>} : memref<200x32xf32, #tpu.memory_space<vmem>>, vector<1x16xf32>,
        %get3A_325 = vector.shape_cast %get3A_324 : vector<1x16xf32> to vector<16xf32>
        %get3A_326 = arith.index_cast %scan3A_321 : i32 to index
        %get3A_327 = arith.constant 16 : index
        %get3A_328 = tpu.vector_load %arg8[%get3A_326, %get3A_327] {strides = array<i32>} : memref<200x32xf32, #tpu.memory_space<vmem>>, vector<1x16xf32>,
        %get3A_329 = vector.shape_cast %get3A_328 : vector<1x16xf32> to vector<16xf32>
        %add3A_330 = arith.constant 800 : i32
        %add3A_331 = arith.addi %add3A_330, %scan3A_321 : i32
        %get3A_332 = arith.index_cast %add3A_331 : i32 to index
        %get3A_333 = arith.constant 0 : index
        %get3A_334 = tpu.vector_load %arg7[%get3A_332, %get3A_333] {strides = array<i32>} : memref<1600x32xf32, #tpu.memory_space<vmem>>, vector<1x16xf32>,
        %get3A_335 = vector.shape_cast %get3A_334 : vector<1x16xf32> to vector<16xf32>
        %add3A_336 = arith.addf %get3A_335, %get3A_325 : vector<16xf32>
        %swap3A_337 = arith.index_cast %add3A_331 : i32 to index
        %swap3A_338 = arith.constant 0 : index
        %swap3A_339 = tpu.vector_load %arg7[%swap3A_337, %swap3A_338] {strides = array<i32>} : memref<1600x32xf32, #tpu.memory_space<vmem>>, vector<1x16xf32>,
        %swap3A_340 = vector.shape_cast %swap3A_339 : vector<1x16xf32> to vector<16xf32>
        %swap3A_341 = vector.shape_cast %add3A_336 : vector<16xf32> to vector<1x16xf32>
        tpu.vector_store %arg7[%swap3A_337, %swap3A_338], %swap3A_341 {strides = array<i32>} : memref<1600x32xf32, #tpu.memory_space<vmem>>, vector<1x16xf32>,
        %get3A_342 = arith.index_cast %add3A_331 : i32 to index
        %get3A_343 = arith.constant 16 : index
        %get3A_344 = tpu.vector_load %arg7[%get3A_342, %get3A_343] {strides = array<i32>} : memref<1600x32xf32, #tpu.memory_space<vmem>>, vector<1x16xf32>,
        %get3A_345 = vector.shape_cast %get3A_344 : vector<1x16xf32> to vector<16xf32>
        %add3A_346 = arith.addf %get3A_345, %get3A_329 : vector<16xf32>
        %swap3A_347 = arith.index_cast %add3A_331 : i32 to index
        %swap3A_348 = arith.constant 16 : index
        %swap3A_349 = tpu.vector_load %arg7[%swap3A_347, %swap3A_348] {strides = array<i32>} : memref<1600x32xf32, #tpu.memory_space<vmem>>, vector<1x16xf32>,
        %swap3A_350 = vector.shape_cast %swap3A_349 : vector<1x16xf32> to vector<16xf32>
        %swap3A_351 = vector.shape_cast %add3A_346 : vector<16xf32> to vector<1x16xf32>
        tpu.vector_store %arg7[%swap3A_347, %swap3A_348], %swap3A_351 {strides = array<i32>} : memref<1600x32xf32, #tpu.memory_space<vmem>>, vector<1x16xf32>,
        %add3A_352 = arith.constant 1000 : i32
        %add3A_353 = arith.addi %add3A_352, %scan3A_321 : i32
        %get3A_354 = arith.index_cast %add3A_353 : i32 to index
        %get3A_355 = arith.constant 0 : index
        %get3A_356 = tpu.vector_load %arg7[%get3A_354, %get3A_355] {strides = array<i32>} : memref<1600x32xf32, #tpu.memory_space<vmem>>, vector<1x16xf32>,
        %get3A_357 = vector.shape_cast %get3A_356 : vector<1x16xf32> to vector<16xf32>
        %add3A_358 = arith.addf %get3A_357, %get3A_325 : vector<16xf32>
        %swap3A_359 = arith.index_cast %add3A_353 : i32 to index
        %swap3A_360 = arith.constant 0 : index
        %swap3A_361 = tpu.vector_load %arg7[%swap3A_359, %swap3A_360] {strides = array<i32>} : memref<1600x32xf32, #tpu.memory_space<vmem>>, vector<1x16xf32>,
        %swap3A_362 = vector.shape_cast %swap3A_361 : vector<1x16xf32> to vector<16xf32>
        %swap3A_363 = vector.shape_cast %add3A_358 : vector<16xf32> to vector<1x16xf32>
        tpu.vector_store %arg7[%swap3A_359, %swap3A_360], %swap3A_363 {strides = array<i32>} : memref<1600x32xf32, #tpu.memory_space<vmem>>, vector<1x16xf32>,
        %get3A_364 = arith.index_cast %add3A_353 : i32 to index
        %get3A_365 = arith.constant 16 : index
        %get3A_366 = tpu.vector_load %arg7[%get3A_364, %get3A_365] {strides = array<i32>} : memref<1600x32xf32, #tpu.memory_space<vmem>>, vector<1x16xf32>,
        %get3A_367 = vector.shape_cast %get3A_366 : vector<1x16xf32> to vector<16xf32>
        %add3A_368 = arith.addf %get3A_367, %get3A_329 : vector<16xf32>
        %swap3A_369 = arith.index_cast %add3A_353 : i32 to index
        %swap3A_370 = arith.constant 16 : index
        %swap3A_371 = tpu.vector_load %arg7[%swap3A_369, %swap3A_370] {strides = array<i32>} : memref<1600x32xf32, #tpu.memory_space<vmem>>, vector<1x16xf32>,
        %swap3A_372 = vector.shape_cast %swap3A_371 : vector<1x16xf32> to vector<16xf32>
        %swap3A_373 = vector.shape_cast %add3A_368 : vector<16xf32> to vector<1x16xf32>
        tpu.vector_store %arg7[%swap3A_369, %swap3A_370], %swap3A_373 {strides = array<i32>} : memref<1600x32xf32, #tpu.memory_space<vmem>>, vector<1x16xf32>,
        %add3A_374 = arith.constant 1200 : i32
        %add3A_375 = arith.addi %add3A_374, %scan3A_321 : i32
        %get3A_376 = arith.index_cast %add3A_375 : i32 to index
        %get3A_377 = arith.constant 0 : index
        %get3A_378 = tpu.vector_load %arg7[%get3A_376, %get3A_377] {strides = array<i32>} : memref<1600x32xf32, #tpu.memory_space<vmem>>, vector<1x16xf32>,
        %get3A_379 = vector.shape_cast %get3A_378 : vector<1x16xf32> to vector<16xf32>
        %add3A_380 = arith.addf %get3A_379, %get3A_325 : vector<16xf32>
        %swap3A_381 = arith.index_cast %add3A_375 : i32 to index
        %swap3A_382 = arith.constant 0 : index
        %swap3A_383 = tpu.vector_load %arg7[%swap3A_381, %swap3A_382] {strides = array<i32>} : memref<1600x32xf32, #tpu.memory_space<vmem>>, vector<1x16xf32>,
        %swap3A_384 = vector.shape_cast %swap3A_383 : vector<1x16xf32> to vector<16xf32>
        %swap3A_385 = vector.shape_cast %add3A_380 : vector<16xf32> to vector<1x16xf32>
        tpu.vector_store %arg7[%swap3A_381, %swap3A_382], %swap3A_385 {strides = array<i32>} : memref<1600x32xf32, #tpu.memory_space<vmem>>, vector<1x16xf32>,
        %get3A_386 = arith.index_cast %add3A_375 : i32 to index
        %get3A_387 = arith.constant 16 : index
        %get3A_388 = tpu.vector_load %arg7[%get3A_386, %get3A_387] {strides = array<i32>} : memref<1600x32xf32, #tpu.memory_space<vmem>>, vector<1x16xf32>,
        %get3A_389 = vector.shape_cast %get3A_388 : vector<1x16xf32> to vector<16xf32>
        %add3A_390 = arith.addf %get3A_389, %get3A_329 : vector<16xf32>
        %swap3A_391 = arith.index_cast %add3A_375 : i32 to index
        %swap3A_392 = arith.constant 16 : index
        %swap3A_393 = tpu.vector_load %arg7[%swap3A_391, %swap3A_392] {strides = array<i32>} : memref<1600x32xf32, #tpu.memory_space<vmem>>, vector<1x16xf32>,
        %swap3A_394 = vector.shape_cast %swap3A_393 : vector<1x16xf32> to vector<16xf32>
        %swap3A_395 = vector.shape_cast %add3A_390 : vector<16xf32> to vector<1x16xf32>
        tpu.vector_store %arg7[%swap3A_391, %swap3A_392], %swap3A_395 {strides = array<i32>} : memref<1600x32xf32, #tpu.memory_space<vmem>>, vector<1x16xf32>,
        %add3A_396 = arith.constant 1400 : i32
        %add3A_397 = arith.addi %add3A_396, %scan3A_321 : i32
        %get3A_398 = arith.index_cast %add3A_397 : i32 to index
        %get3A_399 = arith.constant 0 : index
        %get3A_400 = tpu.vector_load %arg7[%get3A_398, %get3A_399] {strides = array<i32>} : memref<1600x32xf32, #tpu.memory_space<vmem>>, vector<1x16xf32>,
        %get3A_401 = vector.shape_cast %get3A_400 : vector<1x16xf32> to vector<16xf32>
        %add3A_402 = arith.addf %get3A_401, %get3A_325 : vector<16xf32>
        %swap3A_403 = arith.index_cast %add3A_397 : i32 to index
        %swap3A_404 = arith.constant 0 : index
        %swap3A_405 = tpu.vector_load %arg7[%swap3A_403, %swap3A_404] {strides = array<i32>} : memref<1600x32xf32, #tpu.memory_space<vmem>>, vector<1x16xf32>,
        %swap3A_406 = vector.shape_cast %swap3A_405 : vector<1x16xf32> to vector<16xf32>
        %swap3A_407 = vector.shape_cast %add3A_402 : vector<16xf32> to vector<1x16xf32>
        tpu.vector_store %arg7[%swap3A_403, %swap3A_404], %swap3A_407 {strides = array<i32>} : memref<1600x32xf32, #tpu.memory_space<vmem>>, vector<1x16xf32>,
        %get3A_408 = arith.index_cast %add3A_397 : i32 to index
        %get3A_409 = arith.constant 16 : index
        %get3A_410 = tpu.vector_load %arg7[%get3A_408, %get3A_409] {strides = array<i32>} : memref<1600x32xf32, #tpu.memory_space<vmem>>, vector<1x16xf32>,
        %get3A_411 = vector.shape_cast %get3A_410 : vector<1x16xf32> to vector<16xf32>
        %add3A_412 = arith.addf %get3A_411, %get3A_329 : vector<16xf32>
        %swap3A_413 = arith.index_cast %add3A_397 : i32 to index
        %swap3A_414 = arith.constant 16 : index
        %swap3A_415 = tpu.vector_load %arg7[%swap3A_413, %swap3A_414] {strides = array<i32>} : memref<1600x32xf32, #tpu.memory_space<vmem>>, vector<1x16xf32>,
        %swap3A_416 = vector.shape_cast %swap3A_415 : vector<1x16xf32> to vector<16xf32>
        %swap3A_417 = vector.shape_cast %add3A_412 : vector<16xf32> to vector<1x16xf32>
        tpu.vector_store %arg7[%swap3A_413, %swap3A_414], %swap3A_417 {strides = array<i32>} : memref<1600x32xf32, #tpu.memory_space<vmem>>, vector<1x16xf32>,
        %scan3A_418 = arith.constant 3 : i32
        %scan3A_419 = arith.addi %scan3A_127, %scan3A_418 : i32
        %get3A_420 = arith.index_cast %scan3A_419 : i32 to index
        %get3A_421 = arith.constant 0 : index
        %get3A_422 = tpu.vector_load %arg8[%get3A_420, %get3A_421] {strides = array<i32>} : memref<200x32xf32, #tpu.memory_space<vmem>>, vector<1x16xf32>,
        %get3A_423 = vector.shape_cast %get3A_422 : vector<1x16xf32> to vector<16xf32>
        %get3A_424 = arith.index_cast %scan3A_419 : i32 to index
        %get3A_425 = arith.constant 16 : index
        %get3A_426 = tpu.vector_load %arg8[%get3A_424, %get3A_425] {strides = array<i32>} : memref<200x32xf32, #tpu.memory_space<vmem>>, vector<1x16xf32>,
        %get3A_427 = vector.shape_cast %get3A_426 : vector<1x16xf32> to vector<16xf32>
        %add3A_428 = arith.constant 800 : i32
        %add3A_429 = arith.addi %add3A_428, %scan3A_419 : i32
        %get3A_430 = arith.index_cast %add3A_429 : i32 to index
        %get3A_431 = arith.constant 0 : index
        %get3A_432 = tpu.vector_load %arg7[%get3A_430, %get3A_431] {strides = array<i32>} : memref<1600x32xf32, #tpu.memory_space<vmem>>, vector<1x16xf32>,
        %get3A_433 = vector.shape_cast %get3A_432 : vector<1x16xf32> to vector<16xf32>
        %add3A_434 = arith.addf %get3A_433, %get3A_423 : vector<16xf32>
        %swap3A_435 = arith.index_cast %add3A_429 : i32 to index
        %swap3A_436 = arith.constant 0 : index
        %swap3A_437 = tpu.vector_load %arg7[%swap3A_435, %swap3A_436] {strides = array<i32>} : memref<1600x32xf32, #tpu.memory_space<vmem>>, vector<1x16xf32>,
        %swap3A_438 = vector.shape_cast %swap3A_437 : vector<1x16xf32> to vector<16xf32>
        %swap3A_439 = vector.shape_cast %add3A_434 : vector<16xf32> to vector<1x16xf32>
        tpu.vector_store %arg7[%swap3A_435, %swap3A_436], %swap3A_439 {strides = array<i32>} : memref<1600x32xf32, #tpu.memory_space<vmem>>, vector<1x16xf32>,
        %get3A_440 = arith.index_cast %add3A_429 : i32 to index
        %get3A_441 = arith.constant 16 : index
        %get3A_442 = tpu.vector_load %arg7[%get3A_440, %get3A_441] {strides = array<i32>} : memref<1600x32xf32, #tpu.memory_space<vmem>>, vector<1x16xf32>,
        %get3A_443 = vector.shape_cast %get3A_442 : vector<1x16xf32> to vector<16xf32>
        %add3A_444 = arith.addf %get3A_443, %get3A_427 : vector<16xf32>
        %swap3A_445 = arith.index_cast %add3A_429 : i32 to index
        %swap3A_446 = arith.constant 16 : index
        %swap3A_447 = tpu.vector_load %arg7[%swap3A_445, %swap3A_446] {strides = array<i32>} : memref<1600x32xf32, #tpu.memory_space<vmem>>, vector<1x16xf32>,
        %swap3A_448 = vector.shape_cast %swap3A_447 : vector<1x16xf32> to vector<16xf32>
        %swap3A_449 = vector.shape_cast %add3A_444 : vector<16xf32> to vector<1x16xf32>
        tpu.vector_store %arg7[%swap3A_445, %swap3A_446], %swap3A_449 {strides = array<i32>} : memref<1600x32xf32, #tpu.memory_space<vmem>>, vector<1x16xf32>,
        %add3A_450 = arith.constant 1000 : i32
        %add3A_451 = arith.addi %add3A_450, %scan3A_419 : i32
        %get3A_452 = arith.index_cast %add3A_451 : i32 to index
        %get3A_453 = arith.constant 0 : index
        %get3A_454 = tpu.vector_load %arg7[%get3A_452, %get3A_453] {strides = array<i32>} : memref<1600x32xf32, #tpu.memory_space<vmem>>, vector<1x16xf32>,
        %get3A_455 = vector.shape_cast %get3A_454 : vector<1x16xf32> to vector<16xf32>
        %add3A_456 = arith.addf %get3A_455, %get3A_423 : vector<16xf32>
        %swap3A_457 = arith.index_cast %add3A_451 : i32 to index
        %swap3A_458 = arith.constant 0 : index
        %swap3A_459 = tpu.vector_load %arg7[%swap3A_457, %swap3A_458] {strides = array<i32>} : memref<1600x32xf32, #tpu.memory_space<vmem>>, vector<1x16xf32>,
        %swap3A_460 = vector.shape_cast %swap3A_459 : vector<1x16xf32> to vector<16xf32>
        %swap3A_461 = vector.shape_cast %add3A_456 : vector<16xf32> to vector<1x16xf32>
        tpu.vector_store %arg7[%swap3A_457, %swap3A_458], %swap3A_461 {strides = array<i32>} : memref<1600x32xf32, #tpu.memory_space<vmem>>, vector<1x16xf32>,
        %get3A_462 = arith.index_cast %add3A_451 : i32 to index
        %get3A_463 = arith.constant 16 : index
        %get3A_464 = tpu.vector_load %arg7[%get3A_462, %get3A_463] {strides = array<i32>} : memref<1600x32xf32, #tpu.memory_space<vmem>>, vector<1x16xf32>,
        %get3A_465 = vector.shape_cast %get3A_464 : vector<1x16xf32> to vector<16xf32>
        %add3A_466 = arith.addf %get3A_465, %get3A_427 : vector<16xf32>
        %swap3A_467 = arith.index_cast %add3A_451 : i32 to index
        %swap3A_468 = arith.constant 16 : index
        %swap3A_469 = tpu.vector_load %arg7[%swap3A_467, %swap3A_468] {strides = array<i32>} : memref<1600x32xf32, #tpu.memory_space<vmem>>, vector<1x16xf32>,
        %swap3A_470 = vector.shape_cast %swap3A_469 : vector<1x16xf32> to vector<16xf32>
        %swap3A_471 = vector.shape_cast %add3A_466 : vector<16xf32> to vector<1x16xf32>
        tpu.vector_store %arg7[%swap3A_467, %swap3A_468], %swap3A_471 {strides = array<i32>} : memref<1600x32xf32, #tpu.memory_space<vmem>>, vector<1x16xf32>,
        %add3A_472 = arith.constant 1200 : i32
        %add3A_473 = arith.addi %add3A_472, %scan3A_419 : i32
        %get3A_474 = arith.index_cast %add3A_473 : i32 to index
        %get3A_475 = arith.constant 0 : index
        %get3A_476 = tpu.vector_load %arg7[%get3A_474, %get3A_475] {strides = array<i32>} : memref<1600x32xf32, #tpu.memory_space<vmem>>, vector<1x16xf32>,
        %get3A_477 = vector.shape_cast %get3A_476 : vector<1x16xf32> to vector<16xf32>
        %add3A_478 = arith.addf %get3A_477, %get3A_423 : vector<16xf32>
        %swap3A_479 = arith.index_cast %add3A_473 : i32 to index
        %swap3A_480 = arith.constant 0 : index
        %swap3A_481 = tpu.vector_load %arg7[%swap3A_479, %swap3A_480] {strides = array<i32>} : memref<1600x32xf32, #tpu.memory_space<vmem>>, vector<1x16xf32>,
        %swap3A_482 = vector.shape_cast %swap3A_481 : vector<1x16xf32> to vector<16xf32>
        %swap3A_483 = vector.shape_cast %add3A_478 : vector<16xf32> to vector<1x16xf32>
        tpu.vector_store %arg7[%swap3A_479, %swap3A_480], %swap3A_483 {strides = array<i32>} : memref<1600x32xf32, #tpu.memory_space<vmem>>, vector<1x16xf32>,
        %get3A_484 = arith.index_cast %add3A_473 : i32 to index
        %get3A_485 = arith.constant 16 : index
        %get3A_486 = tpu.vector_load %arg7[%get3A_484, %get3A_485] {strides = array<i32>} : memref<1600x32xf32, #tpu.memory_space<vmem>>, vector<1x16xf32>,
        %get3A_487 = vector.shape_cast %get3A_486 : vector<1x16xf32> to vector<16xf32>
        %add3A_488 = arith.addf %get3A_487, %get3A_427 : vector<16xf32>
        %swap3A_489 = arith.index_cast %add3A_473 : i32 to index
        %swap3A_490 = arith.constant 16 : index
        %swap3A_491 = tpu.vector_load %arg7[%swap3A_489, %swap3A_490] {strides = array<i32>} : memref<1600x32xf32, #tpu.memory_space<vmem>>, vector<1x16xf32>,
        %swap3A_492 = vector.shape_cast %swap3A_491 : vector<1x16xf32> to vector<16xf32>
        %swap3A_493 = vector.shape_cast %add3A_488 : vector<16xf32> to vector<1x16xf32>
        tpu.vector_store %arg7[%swap3A_489, %swap3A_490], %swap3A_493 {strides = array<i32>} : memref<1600x32xf32, #tpu.memory_space<vmem>>, vector<1x16xf32>,
        %add3A_494 = arith.constant 1400 : i32
        %add3A_495 = arith.addi %add3A_494, %scan3A_419 : i32
        %get3A_496 = arith.index_cast %add3A_495 : i32 to index
        %get3A_497 = arith.constant 0 : index
        %get3A_498 = tpu.vector_load %arg7[%get3A_496, %get3A_497] {strides = array<i32>} : memref<1600x32xf32, #tpu.memory_space<vmem>>, vector<1x16xf32>,
        %get3A_499 = vector.shape_cast %get3A_498 : vector<1x16xf32> to vector<16xf32>
        %add3A_500 = arith.addf %get3A_499, %get3A_423 : vector<16xf32>
        %swap3A_501 = arith.index_cast %add3A_495 : i32 to index
        %swap3A_502 = arith.constant 0 : index
        %swap3A_503 = tpu.vector_load %arg7[%swap3A_501, %swap3A_502] {strides = array<i32>} : memref<1600x32xf32, #tpu.memory_space<vmem>>, vector<1x16xf32>,
        %swap3A_504 = vector.shape_cast %swap3A_503 : vector<1x16xf32> to vector<16xf32>
        %swap3A_505 = vector.shape_cast %add3A_500 : vector<16xf32> to vector<1x16xf32>
        tpu.vector_store %arg7[%swap3A_501, %swap3A_502], %swap3A_505 {strides = array<i32>} : memref<1600x32xf32, #tpu.memory_space<vmem>>, vector<1x16xf32>,
        %get3A_506 = arith.index_cast %add3A_495 : i32 to index
        %get3A_507 = arith.constant 16 : index
        %get3A_508 = tpu.vector_load %arg7[%get3A_506, %get3A_507] {strides = array<i32>} : memref<1600x32xf32, #tpu.memory_space<vmem>>, vector<1x16xf32>,
        %get3A_509 = vector.shape_cast %get3A_508 : vector<1x16xf32> to vector<16xf32>
        %add3A_510 = arith.addf %get3A_509, %get3A_427 : vector<16xf32>
        %swap3A_511 = arith.index_cast %add3A_495 : i32 to index
        %swap3A_512 = arith.constant 16 : index
        %swap3A_513 = tpu.vector_load %arg7[%swap3A_511, %swap3A_512] {strides = array<i32>} : memref<1600x32xf32, #tpu.memory_space<vmem>>, vector<1x16xf32>,
        %swap3A_514 = vector.shape_cast %swap3A_513 : vector<1x16xf32> to vector<16xf32>
        %swap3A_515 = vector.shape_cast %add3A_510 : vector<16xf32> to vector<1x16xf32>
        tpu.vector_store %arg7[%swap3A_511, %swap3A_512], %swap3A_515 {strides = array<i32>} : memref<1600x32xf32, #tpu.memory_space<vmem>>, vector<1x16xf32>,
      }
      %scan3A_110 = arith.constant 200 : i32
      %mul3A_111 = arith.constant 800 : i32
      %mul3A_112 = arith.muli %add3A_80, %mul3A_111 : i32
      %add3A_113 = arith.addi %mul3A_2, %mul3A_112 : i32
      %dma_start3A_114 = arith.constant 1 : i32
      %dma_start3A_115 = arith.constant 800 : i32
      %dma_start3A_116 = arith.constant 0 : i32
      %dma_start3A_117 = tpu.memref_slice %arg7[%dma_start3A_115, %dma_start3A_116] : memref<1600x32xf32, #tpu.memory_space<vmem>> -> memref<800x32xf32, #tpu.memory_space<vmem>>
      %dma_start3A_118 = arith.constant 0 : i32
      %dma_start3A_119 = tpu.memref_slice %arg5[%add3A_113, %dma_start3A_118] : memref<819200x128xf32, #tpu.memory_space<hbm>> -> memref<800x32xf32, #tpu.memory_space<hbm>>
      %dma_start3A_120 = tpu.memref_slice %arg10[%dma_start3A_114] : memref<2x!tpu.dma_semaphore, #tpu.memory_space<semaphore_mem>> -> memref<1x!tpu.dma_semaphore, #tpu.memory_space<semaphore_mem>>
      %dma_start3A_121 = tpu.memref_squeeze %dma_start3A_120 : memref<1x!tpu.dma_semaphore, #tpu.memory_space<semaphore_mem>> -> memref<!tpu.dma_semaphore, #tpu.memory_space<semaphore_mem>>
      %dma_start3A_122 = arith.constant 0 : i32
      %dma_start3A_123 = tpu.memref_slice %arg5[%add3A_113, %dma_start3A_122] : memref<819200x128xf32, #tpu.memory_space<hbm>> -> memref<800x32xf32, #tpu.memory_space<hbm>>
      %dma_start3A_124 = arith.constant 800 : i32
      %dma_start3A_125 = arith.constant 0 : i32
      %dma_start3A_126 = tpu.memref_slice %arg7[%dma_start3A_124, %dma_start3A_125] : memref<1600x32xf32, #tpu.memory_space<vmem>> -> memref<800x32xf32, #tpu.memory_space<vmem>>
      tpu.enqueue_dma source(%dma_start3A_126 : memref<800x32xf32, #tpu.memory_space<vmem>>) target(%dma_start3A_123 : memref<800x32xf32, #tpu.memory_space<hbm>>) target_semaphore(%dma_start3A_121 : memref<!tpu.dma_semaphore, #tpu.memory_space<semaphore_mem>>)
    }
    %scan3A_17 = arith.constant 16 : i32
    %add3A_18 = arith.constant 24800 : i32
    %add3A_19 = arith.addi %mul3A_2, %add3A_18 : i32
    %dma_wait3A = arith.constant 1 : i32
    %dma_wait3A_20 = arith.constant 800 : i32
    %dma_wait3A_21 = arith.constant 0 : i32
    %dma_wait3A_22 = tpu.memref_slice %arg7[%dma_wait3A_20, %dma_wait3A_21] : memref<1600x32xf32, #tpu.memory_space<vmem>> -> memref<800x32xf32, #tpu.memory_space<vmem>>
    %dma_wait3A_23 = arith.constant 0 : i32
    %dma_wait3A_24 = tpu.memref_slice %arg5[%add3A_19, %dma_wait3A_23] : memref<819200x128xf32, #tpu.memory_space<hbm>> -> memref<800x32xf32, #tpu.memory_space<hbm>>
    %dma_wait3A_25 = tpu.memref_slice %arg10[%dma_wait3A] : memref<2x!tpu.dma_semaphore, #tpu.memory_space<semaphore_mem>> -> memref<1x!tpu.dma_semaphore, #tpu.memory_space<semaphore_mem>>
    %dma_wait3A_26 = tpu.memref_squeeze %dma_wait3A_25 : memref<1x!tpu.dma_semaphore, #tpu.memory_space<semaphore_mem>> -> memref<!tpu.dma_semaphore, #tpu.memory_space<semaphore_mem>>
    %dma_wait3A_27 = arith.constant 0 : i32
    %dma_wait3A_28 = tpu.memref_slice %arg5[%add3A_19, %dma_wait3A_27] : memref<819200x128xf32, #tpu.memory_space<hbm>> -> memref<800x32xf32, #tpu.memory_space<hbm>>
    %dma_wait3A_29 = arith.constant 800 : i32
    %dma_wait3A_30 = arith.constant 0 : i32
    %dma_wait3A_31 = tpu.memref_slice %arg7[%dma_wait3A_29, %dma_wait3A_30] : memref<1600x32xf32, #tpu.memory_space<vmem>> -> memref<800x32xf32, #tpu.memory_space<vmem>>
    tpu.wait_dma2 semaphore(%dma_wait3A_26 : memref<!tpu.dma_semaphore, #tpu.memory_space<semaphore_mem>>) src(%dma_wait3A_31 : memref<800x32xf32, #tpu.memory_space<vmem>>) dst(%dma_wait3A_28 : memref<800x32xf32, #tpu.memory_space<hbm>>)
    return
  }
}

</mosaic_0001>

<sc_bundles>
// kernel: kernel.3.cloned.1.call-start
scs
__scs_entry_jumppad:
0x0: {  	(pc) =	sbr.rel $0x88, $3  }
0x1: {  	(tag) =	ssettag $0x0;
	lr =	simm.s32 $0x1  }
0x2: {  	[smem:$0x3F9E] =	sst lr;
	_ =	strace $0xD0000000  }
0x3: {  	_ = 	snop  }
0x4: {  	_ = 	snop  }
0x5: {  	_ = 	snop  }
0x6: {  	_ = 	snop  }
0x7: {  	_ = 	snop  }
__scs_overlays_trampoline_lowered:
0x8: {  	[smem:$0x3FAD] =	sst s0  }
0x9: {  	[smem:$0x3FAE] =	sst s1  }
0xa: {  	[smem:$0x3FAF] =	sst s2  }
0xb: {  	[smem:$0x3FB0] =	sst s3  }
0xc: {  	[smem:$0x3FB1] =	sst s4  }
0xd: {  	[smem:$0x3FB2] =	sst s5  }
0xe: {  	[smem:$0x3FB3] =	sst s6  }
0xf: {  	[smem:$0x3FB4] =	sst s7  }
0x10: {  	[smem:$0x3FB5] =	sst s8  }
0x11: {  	[smem:$0x3FB6] =	sst s9;
	s0 =	simm.s32 @!p0 $0x0  }
0x12: {  	s1 =	sld [smem:$0x3F9C];
	s0 =	simm.s32 @p0 $0x1  }
0x13: {  	[smem:$0x3FB7] =	sst s0;
	s0 =	simm.s32 @!p1 $0x0  }
0x14: {  	s2 =	sld [smem:$0x3F9B];
	s0 =	simm.s32 @p1 $0x1  }
0x15: {  	[smem:$0x3FB8] =	sst s0;
	s0 =	simm.s32 @!p2 $0x0  }
0x16: {  	s3 =	sld [smem:$0x3FDB];
	s0 =	simm.s32 @p2 $0x1  }
0x17: {  	s4 =	simm.s32 $0x1BF5;
	[smem:$0x3FBA] =	sst s0  }
0x18: {  	s0 =	sld [smem:$0x3F9D];
	_ =	swait.ge [sflag:s4], $0x0  }
0x19: {  	s7 =	sld [smem:$0x3F9E]  }
0x1a: {  	s8 =	sadd.s32 $0xFFFFE003, lr  }
0x1b: {  	s9 =	sadd.s32 $0xFFFFFEF7, lr;
	s5 =	simm.s32 $0xFFFFFFFF;
	p2 =	slt.u32 s8, $0xFFFFF086  }
0x1c: {  	p1 =	slt.u32 s9, $0xF7A;
	s5 =	simm.s32 @!p2 $0x0  }
0x1d: {  	s5 =	simm.s32 @p1 $0x1;
	p0 =	seq.s32 s7, s2  }
0x1e: {  	s7 =	smul.u32 @!p0 $0xF7A, s2;
	p2 =	seq.s32 @!p0 s5, $0x0  }
0x1f: {  	s9 =	smul.u32 $0xF7A, s1;
	s8 =	simm.s32 @!p0 $0x1BF5;
	p2 =	por !p2, p0  }
0x20: {  	[sflag:s8] =	ssyncset.s32 @!p0 $0xFFFFF086;
	s6 =	sadd.s32 @!p0 s3, s7;
	s7 =	simm.s32 @!p0 $0x108  }
0x21: {  	s3 =	sadd.s32 s3, s9;
	s6 =	sadd.s32 @!p0 $0x88, s6;
	s7 =	simm.s32 @p2 $0x1082  }
0x22: {  	[simem:s7], [sflag:s8] =	dma.local @!p0 [hbm:s6], $0xF7A  }
0x23: {  	s9 =	sor.u32 $0xD0000000, s2;
	s6 =	simm.s32 $0x108;
	_ =	swait.ge @!p0 [sflag:s8], $0x0  }
0x24: {  	s3 =	sadd.s32 $0x88, s3;
	s6 =	simm.s32 @!p1 $0x1082;
	[sflag:s4] =	ssyncset.s32 $0xFFFFF086  }
0x25: {  	[simem:s6], [sflag:s4] =	dma.local [hbm:s3], $0xF7A  }
0x26: {  	[smem:$0x3F9E] =	sst s1;
	(tag) =	ssettag s2;
	_ =	strace s9  }
0x27: {  	s1 =	sld [smem:$0x3FAE]  }
0x28: {  	s2 =	sld [smem:$0x3FAF]  }
0x29: {  	s4 =	sld [smem:$0x3FB1]  }
0x2a: {  	p0 =	seq.s32 s5, $0x0;
	s5 =	sld [smem:$0x3FB2]  }
0x2b: {  	s6 =	sld [smem:$0x3FB3]  }
0x2c: {  	s7 =	sld [smem:$0x3FB4]  }
0x2d: {  	s3 =	simm.s32 $0x108;
	s8 =	sld [smem:$0x3FB5]  }
0x2e: {  	s3 =	simm.s32 @!p0 $0x1082;
	s9 =	sld [smem:$0x3FB6]  }
0x2f: {  	lr =	sadd.s32 s0, s3;
	s0 =	sld [smem:$0x3FAD]  }
0x30: {  	s3 =	sld [smem:$0x3FB0]  }
0x31: {  	[smem:$0x3FB9] =	sst s10  }
0x32: {  	s10 =	sld [smem:$0x3FB7];
	_ =	sdelay $0x3  }
0x33: {  	p0 =	seq.s32 s10, $0x1;
	s10 =	sld [smem:$0x3FB9];
	_ =	sdelay $0x3  }
0x34: {  	[smem:$0x3FB9] =	sst s10  }
0x35: {  	s10 =	sld [smem:$0x3FB8];
	_ =	sdelay $0x3  }
0x36: {  	p1 =	seq.s32 s10, $0x1;
	s10 =	sld [smem:$0x3FB9];
	_ =	sdelay $0x3  }
0x37: {  	[smem:$0x3FB9] =	sst s10  }
0x38: {  	s10 =	sld [smem:$0x3FBA]  }
0x39: {  	_ = 	snop;
	(pc) =	sbr.ind lr, $3  }
0x3a: {  	_ = 	snop  }
0x3b: {  	_ = 	snop  }
0x3c: {  	p2 =	seq.s32 s10, $0x1;
	s10 =	sld [smem:$0x3FB9]  }
0x3d: {  	_ =	shalt  }
0x3e: {  	_ =	shalt  }
0x3f: {  	_ =	shalt  }
0x40: {  	_ =	shalt  }
0x41: {  	_ =	shalt  }
0x42: {  	_ =	shalt  }
0x43: {  	_ =	shalt  }
0x44: {  	_ =	shalt  }
0x45: {  	_ =	shalt  }
0x46: {  	_ =	shalt  }
0x47: {  	_ =	shalt  }
0x48: {  	_ =	shalt  }
0x49: {  	_ =	shalt  }
0x4a: {  	_ =	shalt  }
0x4b: {  	_ =	shalt  }
0x4c: {  	_ =	shalt  }
0x4d: {  	_ =	shalt  }
0x4e: {  	_ =	shalt  }
0x4f: {  	_ =	shalt  }
0x50: {  	_ =	shalt  }
0x51: {  	_ =	shalt  }
0x52: {  	_ =	shalt  }
0x53: {  	_ =	shalt  }
0x54: {  	_ =	shalt  }
0x55: {  	_ =	shalt  }
0x56: {  	_ =	shalt  }
0x57: {  	_ =	shalt  }
0x58: {  	_ =	shalt  }
0x59: {  	_ =	shalt  }
0x5a: {  	_ =	shalt  }
0x5b: {  	_ =	shalt  }
0x5c: {  	_ =	shalt  }
0x5d: {  	_ =	shalt  }
0x5e: {  	_ =	shalt  }
0x5f: {  	_ =	shalt  }
0x60: {  	_ =	shalt  }
0x61: {  	_ =	shalt  }
0x62: {  	_ =	shalt  }
0x63: {  	_ =	shalt  }
0x64: {  	_ =	shalt  }
0x65: {  	_ =	shalt  }
0x66: {  	_ =	shalt  }
0x67: {  	_ =	shalt  }
0x68: {  	_ =	shalt  }
0x69: {  	_ =	shalt  }
0x6a: {  	_ =	shalt  }
0x6b: {  	_ =	shalt  }
0x6c: {  	_ =	shalt  }
0x6d: {  	_ =	shalt  }
0x6e: {  	_ =	shalt  }
0x6f: {  	_ =	shalt  }
0x70: {  	_ =	shalt  }
0x71: {  	_ =	shalt  }
0x72: {  	_ =	shalt  }
0x73: {  	_ =	shalt  }
0x74: {  	_ =	shalt  }
0x75: {  	_ =	shalt  }
0x76: {  	_ =	shalt  }
0x77: {  	_ =	shalt  }
0x78: {  	_ =	shalt  }
0x79: {  	_ =	shalt  }
0x7a: {  	_ =	shalt  }
0x7b: {  	_ =	shalt  }
0x7c: {  	_ =	shalt  }
0x7d: {  	_ =	shalt  }
0x7e: {  	_ =	shalt  }
0x7f: {  	_ =	shalt  }
0x80: {  	_ =	shalt  }
0x81: {  	_ =	shalt  }
0x82: {  	_ =	shalt  }
0x83: {  	_ =	shalt  }
0x84: {  	_ =	shalt  }
0x85: {  	_ =	shalt  }
0x86: {  	_ =	shalt  }
0x87: {  	_ =	shalt  }
.Lfunc_end0:
.L_simem_size_0:
called_computation.2_lowered:
.L_overlay_start_0:
0x88: {  	s2 =	sld [smem:$0x3FD9]  }
0x89: {  	s3 =	sld [smem:$0x3FFE];
	_ =	sdelay $0x1  }
0x8a: {  	s1 =	srdreg.scid  }
0x8b: {  	s0 =	sand.u32 $0x1, s1  }
0x8c: {  	s17 =	sshll.u32 s0, $0xA;
	s2 =	sadd.s32 s3, s2  }
0x8d: {  	s2 =	sadd.s32 s2, s17  }
0x8e: {  	[smem:$0x3FC5] =	sst s2  }
0x8f: {  	_ = 	snop  }
0x90: {  	s2 =	sld [smem:$0x3FD0];
	(tm) =	ssettm $0x1  }
0x91: {  	s18 =	sld [smem:$0x3FFB];
	_ =	sdelay $0x3  }
0x92: {  	_ =	strace s18  }
0x93: {  	s3 =	sld [smem:$0x3FFC];
	_ =	sdelay $0x3  }
0x94: {  	_ =	strace s3  }
0x95: {  	s3 =	sld [smem:$0x3FFD];
	_ =	sdelay $0x3  }
0x96: {  	_ =	strace s3  }
0x97: {  	_ =	strace $0x8FFFFFFF  }
0x98: {  	s19 =	sld [smem:$0x3FDB];
	_ =	sdelay $0x1  }
0x99: {  	s4 =	simm.s32 $_scs_section_size  }
0x9a: {  	s5 =	simm.s32 $_size__tile_overlayer_lowered;
	s6 =	simm.s32 $_tile_overlayer_lowered  }
0x9b: {  	s22 =	simm.s32 $0x1BFF;
	s21 =	sshll.u32 s6, $0x1;
	s3 =	sadd.s32 s4, s19  }
0x9c: {  	s7 =	simm.s32 $0x0;
	s20 =	sshll.u32 s5, $0x1;
	s5 =	sadd.s32 s21, s3  }
0x9d: {  	[timem:s7], [sflag:s22] =	dma.local [hbm:s5], s20  }
0x9e: {  	_ =	swait.ge [sflag:s22], s20  }
0x9f: {  	s4 =	ssub.s32 $0x0, s20;
	[sflag:s22] =	ssyncset.done $0x0  }
0xa0: {  	[sflag:s22] =	ssyncadd.s32 s4;
	_ =	sdelay $0x1  }
0xa1: {  	s23 =	simm.s32 $0x1B8B  }
0xa2: {  	_ =	swait.ge [sflag:s23], $0x1  }
0xa3: {  	[sflag:s23] =	ssyncset.done $0x0  }
0xa4: {  	s25 =	simm.s32 $0x1B8E;
	s24 =	sld [smem:$0x3FFE];
	[sflag:s23] =	ssyncadd.s32 $0xFFFFFFFF  }
0xa5: {  	s26 =	simm.s32 $execute0_lowered;
	[smem:$0x3FD2] =	sst s25  }
0xa6: {  	s5 =	sshll.u32 s26, $0x1;
	_ =	strace $0x80000049;
	[dreg:$0x1] =	wrdreg $0xFFFFFFFF  }
0xa7: {  	s28 =	simm.s32 $_size_execute0_lowered;
	s3 =	sadd.s32 s3, s5;
	[dreg:$0x0] =	wrdreg $0x0  }
0xa8: {  	s5 =	sshll.u32 s28, $0x1;
	[dreg:$0x2] =	wrdreg s3  }
0xa9: {  	[dreg:$0x3] =	wrdreg s5  }
0xaa: {  	[dreg:$0x4] =	wrdreg $0xC0  }
0xab: {  	_ =	task [dreg:s7], $0x5FFFF  }
0xac: {  	[dreg:$0x1] =	wrdreg $0xFFFFFFFF  }
0xad: {  	[dreg:$0x0] =	wrdreg $0x60  }
0xae: {  	[dreg:$0x2] =	wrdreg s2  }
0xaf: {  	[dreg:$0x3] =	wrdreg s24  }
0xb0: {  	[dreg:$0x4] =	wrdreg $0x9  }
0xb1: {  	_ =	task.clear_ibuf [dreg:s7], $0x5FFFF;
	_ =	strace $0x90000049  }
0xb2: {  	s29 =	simm.s32 $0x9;
	_ =	strace $0x8000004B  }
0xb3: {  	_ =	swait.ge [sflag:s29], $0x1  }
0xb4: {  	[sflag:s29] =	ssyncadd.s32 $0xFFFFFFFF  }
0xb5: {  	_ =	strace $0x9000004B  }
0xb6: {  	_ =	sfence  }
0xb7: {  	s30 =	sld [smem:$0x0];
	_ =	sdelay $0x2  }
0xb8: {  	s31 =	sshll.u32 s1, $0xD;
	s1 =	sshrl.u32 s1, $0x2  }
0xb9: {  	s3 =	sand.u32 $0x4000, s31;
	s1 =	sadd.s32 s1, s30  }
0xba: {  	s0 =	sor.u32 s3, s0;
	s1 =	sshll.u32 s1, $0x11  }
0xbb: {  	s0 =	sor.u32 s1, s0  }
0xbc: {  	s0 =	sadd.s32 $0x8F2B, s0  }
0xbd: {  	[sflag:s0] =	ssyncadd.remote.s32 $0x1  }
0xbe: {  	_ =	sfence.sel $0xFFFF  }
0xbf: {  	[dreg:$0x0] =	wrdreg $0xFFFFFFFF;
	(pc) =	sbr.abs _section_cstart, $3  }
0xc0: {  	[dreg:$0x1] =	wrdreg $0xFFFFFFFF  }
0xc1: {  	_ =	task.clear_ibuf [dreg:s7], $0x2FFFF;
	_ =	strace $0x9FFFFFFF  }
0xc2: {  	(tm) =	ssettm $0x7FFFFFFF  }
0xc3: {  	_ =	shalt  }
tec
execute0_lowered:
.L_overlay_start_1:
0x0: {  	(tag) =	ssettag $0x1  }
0x1: {  	s7 =	rddreg [dreg:$0x0]  }
0x2: {  	s1 =	srdreg.scid;
	s0 =	stileid.u32  }
0x3: {  	s6 =	rddreg [dreg:$0x1];
	s2 =	simm.s32 $0x0;
	s10 =	simm.s32 $0x5  }
0x4: {  	s11 =	simm.s32 $0x320;
	s12 =	simm.s32 $0x6400;
	s13 =	simm.s32 $0x1  }
0x5: {  	s14 =	simm.s32 $0xC800;
	s15 =	simm.s32 $0x20;
	s16 =	simm.s32 $0x80  }
0x6: {  	s17 =	simm.s32 $0x2;
	s18 =	simm.s32 $0x3;
	s19 =	simm.s32 $0x4  }
0x7: {  	s3 =	sand.u32 $0x1, s1;
	s4 =	sshll.u32 s0, $0x1;
	s1 =	rddreg [dreg:$0x2]  }
0x8: {  	s20 =	simm.s32 $0x0;
	[smem:$0x7FF] =	sst s2;
	s4 =	sor.u32 s3, s4  }
0x9: {  	s5 =	sadd.s32 $0xF43400, s6;
	s8 =	ssub.s32 $0x2, s3;
	s3 =	smul.u32 $0x6400, s4  }
0xa: {  	_ =	strace $0x8000004A;
	s4 =	sadd.s32 $0xF43800, s6;
	s9 =	sshrl.u32 s8, $0x1  }
0xb: {  	s6 =	sadd.s32 $0x1000, s6;
	s8 =	ssub.s32 s8, s9;
	s31 =	sshrl.u32 s3, $0x3  }
0xc: {  	s9 =	simm.s32 $0x12C00;
	s8 =	smax.u32 s8, $0x1;
	s7 =	sadd.s32 s7, s31  }
.LBB2_1:
0xd: {  	[tilespmem:s9], [sflag:$0x5] =	stream.linear.gather [hbm4b:s5+s2], $0x1900, $0x38;
	[tilespmem:$0x14500] =	vst v63  }
0xe: {  	_ =	swait.ge [sflag:s10], $0x1900  }
0xf: {  	[sflag:s10] =	ssyncset.done $0x0  }
0x10: {  	[sflag:s10] =	ssyncadd.s32 $0xFFFFE700  }
0x11: {  	[tilespmem:s2], [sflag:$0x5] =	stream.linear.gather [hbm4b:s7+s2], $0x6400, $0x38;
	[tilespmem:$0x14500] =	vst v63  }
0x12: {  	_ =	swait.ge [sflag:s10], $0x6400  }
0x13: {  	[sflag:s10] =	ssyncset.done $0x0  }
0x14: {  	s21 =	simm.s32 $0x0;
	[sflag:s10] =	ssyncadd.s32 $0xFFFF9C00  }
0x15: {  	[tilespmem:s12], [sflag:$0x1] =	stream.indirect.gather [hbm4b:s4+s11], $0x20, s2, s11, $0xb8;
	[tilespmem:$0x14500] =	vst v63  }
.LBB2_2:
0x16: {  	_ =	swait.ge [sflag:s13], $0x6400  }
0x17: {  	s22 =	sshll.u32 s21, $0x1;
	p0 =	seq.s32 s21, $0x0;
	[sflag:s13] =	ssyncset.done $0x0  }
0x18: {  	s23 =	simm.s32 @!p0 $0x4;
	s22 =	sor.u32 $0x1, s22;
	[sflag:s13] =	ssyncadd.s32 $0xFFFF9C00  }
0x19: {  	s24 =	smul.u32 $0xC80, s22;
	_ =	swait.ge @!p0 [sflag:s23], $0x6400  }
0x1a: {  	[sflag:s23] =	ssyncset.done @!p0 $0x0  }
0x1b: {  	s31 =	sshra.s32 s24, $0x2;
	[sflag:s23] =	ssyncadd.s32 @!p0 $0xFFFF9C00;
	s23 =	simm.s32 $0x0  }
0x1c: {  	[tilespmem:s14], [sflag:$0x2] =	stream.indirect.gather [hbm4b:s4+s11], $0x20, s31, s11, $0xb8;
	[tilespmem:$0x14500] =	vst v63  }
0x1d: {  	v7 =	vld [tilespmem:s23+$0x9640]  }
0x1e: {  	v3 =	vld [tilespmem:s23+$0x6420]  }
0x1f: {  	v6 =	vld [tilespmem:s23+$0x7D50]  }
0x20: {  	v8 =	vld [tilespmem:s23+$0x7D40]  }
0x21: {  	v5 =	vld [tilespmem:s23+$0x6450]  }
0x22: {  	v9 =	vld [tilespmem:s23+$0x6440]  }
0x23: {  	v0 =	vld [tilespmem:s23+$0x12C50]  }
0x24: {  	v10 =	vld [tilespmem:s23+$0x12C40]  }
0x25: {  	v4 =	vld [tilespmem:s23+$0xAF20]  }
0x26: {  	v11 =	vld [tilespmem:s23+$0x9630]  }
0x27: {  	v12 =	vld [tilespmem:s23+$0x9620]  }
0x28: {  	v13 =	vld [tilespmem:s23+$0x7D30]  }
0x29: {  	v1 =	vld [tilespmem:s23+$0x12C30]  }
0x2a: {  	v14 =	vld [tilespmem:s23+$0x7D20]  }
0x2b: {  	v16 =	vld [tilespmem:s23+$0x12C20]  }
0x2c: {  	v15 =	vld [tilespmem:s23+$0x6430]  }
0x2d: {  	v17 =	vld [tilespmem:s23+$0xAF00]  }
0x2e: {  	v2 =	vld [tilespmem:s23+$0xAF10];
	v11 =	vadd.f32 v11, v1  }
0x2f: {  	v18 =	vld [tilespmem:s23+$0x7D00]  }
0x30: {  	v19 =	vld [tilespmem:s23+$0x6400];
	[tilespmem:s23+$0x9630] =	vst v11;
	v11 =	vadd.f32 v3, v16  }
0x31: {  	v20 =	vld [tilespmem:s23+$0x9660]  }
0x32: {  	v21 =	vld [tilespmem:s23+$0x7D60];
	[tilespmem:s23+$0x6420] =	vst v11;
	v11 =	vadd.f32 v12, v16  }
0x33: {  	v22 =	vld [tilespmem:s23+$0x6470]  }
0x34: {  	v23 =	vld [tilespmem:s23+$0x6460];
	[tilespmem:s23+$0x9620] =	vst v11;
	v11 =	vadd.f32 v14, v16  }
0x35: {  	v24 =	vld [tilespmem:s23+$0x12C60];
	v13 =	vadd.f32 v13, v1  }
0x36: {  	v25 =	vld [tilespmem:s23+$0x7D70];
	[tilespmem:s23+$0x7D20] =	vst v11;
	v11 =	vadd.f32 v15, v1  }
0x37: {  	v9 =	vadd.f32 v9, v10;
	[tilespmem:s23+$0x7D30] =	vst v13;
	v13 =	vld [tilespmem:s23+$0xAF40]  }
0x38: {  	v4 =	vadd.f32 v4, v16;
	[tilespmem:s23+$0x6430] =	vst v11;
	v11 =	vld [tilespmem:s23+$0x9650]  }
0x39: {  	v8 =	vadd.f32 v8, v10;
	[tilespmem:s23+$0x6440] =	vst v9;
	v9 =	vadd.f32 v6, v0;
	v6 =	vld [tilespmem:s23+$0x12C70]  }
0x3a: {  	v7 =	vadd.f32 v7, v10;
	[tilespmem:s23+$0xAF20] =	vst v4;
	v14 =	vadd.f32 v5, v0;
	v5 =	vld [tilespmem:s23+$0x12C00]  }
0x3b: {  	v3 =	vld [tilespmem:s23+$0x9610];
	[tilespmem:s23+$0x7D40] =	vst v8  }
0x3c: {  	[tilespmem:s23+$0x9640] =	vst v7;
	v12 =	vld [tilespmem:s23+$0xAF60];
	v10 =	vadd.f32 v13, v10  }
0x3d: {  	v8 =	vld [tilespmem:s23+$0x9670];
	[tilespmem:s23+$0x7D50] =	vst v9;
	v9 =	vadd.f32 v11, v0  }
0x3e: {  	v4 =	vld [tilespmem:s23+$0x9600];
	[tilespmem:s23+$0xAF40] =	vst v10  }
0x3f: {  	v13 =	vadd.f32 v22, v6;
	v10 =	vadd.f32 v19, v5;
	[tilespmem:s23+$0x9650] =	vst v9;
	v9 =	vld [tilespmem:s23+$0xAF70]  }
0x40: {  	v7 =	vld [tilespmem:s23+$0x12C10];
	[tilespmem:s23+$0x6450] =	vst v14;
	v16 =	vadd.f32 v17, v5;
	v19 =	vadd.f32 v21, v24  }
0x41: {  	v14 =	vld [tilespmem:s23+$0x6410];
	v17 =	vadd.f32 v12, v24;
	[tilespmem:s23+$0x6400] =	vst v10;
	v11 =	vadd.f32 v18, v5  }
0x42: {  	v12 =	vld [tilespmem:s23+$0x7D10];
	v10 =	vadd.f32 v8, v6;
	[tilespmem:s23+$0x7D60] =	vst v19;
	v8 =	vadd.f32 v25, v6  }
0x43: {  	s25 =	simm.s32 $0x200;
	s24 =	simm.s32 $0x0;
	v15 =	vld [tilespmem:s23+$0xAF30];
	v18 =	vadd.f32 v20, v24;
	[tilespmem:s23+$0x7D00] =	vst v11;
	v11 =	vadd.f32 v23, v24  }
.LBB2_3:
0x44: {  	s26 =	sshra.s32 s25, $0x2;
	s24 =	sadd.s32 $0x4, s24;
	v4 =	vadd.f32 v4, v5;
	[tilespmem:s23+$0xAF00] =	vst v16;
	v5 =	vld [tilespmem:s23+$0xAF50];
	v6 =	vadd.f32 v9, v6  }
0x45: {  	v9 =	vld [tilespmem:s26+$0x9640];
	p0 =	slt.u32 s24, $0xC4;
	v3 =	vadd.f32 v3, v7;
	v2 =	vadd.f32 v2, v7;
	[tilespmem:s23+$0xAF60] =	vst v17  }
0x46: {  	v16 =	vld [tilespmem:s26+$0x6420];
	v14 =	vadd.f32 v14, v7;
	[tilespmem:s23+$0x9660] =	vst v18  }
0x47: {  	v17 =	vld [tilespmem:s26+$0x7D50];
	v7 =	vadd.f32 v12, v7;
	[tilespmem:s23+$0xAF10] =	vst v2  }
0x48: {  	v12 =	vld [tilespmem:s26+$0x7D40];
	v1 =	vadd.f32 v15, v1;
	[tilespmem:s23+$0x6470] =	vst v13  }
0x49: {  	v13 =	vld [tilespmem:s26+$0x6450];
	[tilespmem:s23+$0x9610] =	vst v3;
	v2 =	vadd.f32 v5, v0  }
0x4a: {  	v5 =	vld [tilespmem:s26+$0x6440];
	[tilespmem:s23+$0xAF30] =	vst v1  }
0x4b: {  	v0 =	vld [tilespmem:s26+$0x12C50];
	[tilespmem:s23+$0x6410] =	vst v14  }
0x4c: {  	v14 =	vld [tilespmem:s26+$0x12C40];
	[tilespmem:s23+$0x6460] =	vst v11  }
0x4d: {  	v3 =	vld [tilespmem:s26+$0xAF20];
	[tilespmem:s23+$0x9670] =	vst v10  }
0x4e: {  	v10 =	vld [tilespmem:s26+$0x9630];
	[tilespmem:s23+$0xAF50] =	vst v2  }
0x4f: {  	v11 =	vld [tilespmem:s26+$0x9620];
	[tilespmem:s23+$0x9600] =	vst v4  }
0x50: {  	v4 =	vld [tilespmem:s26+$0x7D30];
	[tilespmem:s23+$0x7D70] =	vst v8  }
0x51: {  	v8 =	vld [tilespmem:s26+$0x7D20];
	[tilespmem:s23+$0x7D10] =	vst v7  }
0x52: {  	v7 =	vld [tilespmem:s26+$0x6430];
	[tilespmem:s23+$0xAF70] =	vst v6;
	s23 =	smov.u32 s26  }
0x53: {  	v1 =	vld [tilespmem:s23+$0x12C30]  }
0x54: {  	v6 =	vld [tilespmem:s23+$0x12C20]  }
0x55: {  	v15 =	vld [tilespmem:s23+$0xAF00]  }
0x56: {  	v2 =	vld [tilespmem:s23+$0xAF10]  }
0x57: {  	v18 =	vld [tilespmem:s23+$0x7D00]  }
0x58: {  	v19 =	vld [tilespmem:s23+$0x6400];
	v20 =	vadd.f32 v4, v1;
	v4 =	vadd.f32 v10, v1  }
0x59: {  	v10 =	vadd.f32 v16, v6;
	v16 =	vadd.f32 v3, v6;
	v21 =	vld [tilespmem:s23+$0x9660]  }
0x5a: {  	v8 =	vadd.f32 v8, v6;
	v6 =	vadd.f32 v11, v6;
	[tilespmem:s23+$0x9630] =	vst v4;
	v11 =	vld [tilespmem:s23+$0x7D60]  }
0x5b: {  	v7 =	vadd.f32 v7, v1;
	v3 =	vld [tilespmem:s23+$0x9610];
	[tilespmem:s23+$0x6420] =	vst v10  }
0x5c: {  	[tilespmem:s23+$0xAF20] =	vst v16;
	v10 =	vld [tilespmem:s23+$0xAF60]  }
0x5d: {  	[tilespmem:s23+$0x9620] =	vst v6;
	v22 =	vld [tilespmem:s23+$0x6470]  }
0x5e: {  	v4 =	vld [tilespmem:s23+$0x9600];
	[tilespmem:s23+$0x7D20] =	vst v8  }
0x5f: {  	[tilespmem:s23+$0x7D30] =	vst v20;
	v8 =	vld [tilespmem:s23+$0x6460]  }
0x60: {  	v6 =	vadd.f32 v5, v14;
	[tilespmem:s23+$0x6430] =	vst v7;
	v7 =	vld [tilespmem:s23+$0x9650]  }
0x61: {  	v13 =	vadd.f32 v13, v0;
	v16 =	vld [tilespmem:s23+$0xAF40]  }
0x62: {  	v5 =	vld [tilespmem:s23+$0x12C00];
	[tilespmem:s23+$0x6440] =	vst v6;
	v6 =	vadd.f32 v12, v14  }
0x63: {  	v12 =	vadd.f32 v17, v0;
	[tilespmem:s23+$0x6450] =	vst v13;
	v20 =	vld [tilespmem:s23+$0x12C60]  }
0x64: {  	v9 =	vadd.f32 v9, v14;
	[tilespmem:s23+$0x7D40] =	vst v6;
	v6 =	vld [tilespmem:s23+$0x12C70]  }
0x65: {  	[tilespmem:s23+$0x7D50] =	vst v12;
	v7 =	vadd.f32 v7, v0;
	v23 =	vld [tilespmem:s23+$0x9670]  }
0x66: {  	[tilespmem:s23+$0x9640] =	vst v9;
	v12 =	vadd.f32 v16, v14;
	v24 =	vld [tilespmem:s23+$0x7D70]  }
.Ltmp0:
0x67: {  	v19 =	vadd.f32 v19, v5;
	v13 =	vadd.f32 v18, v5;
	[tilespmem:s23+$0x9650] =	vst v7;
	v9 =	vld [tilespmem:s23+$0xAF70];
	(pc) =	sbr.rel @p0 .LBB2_3-.Ltmp0, $4  }
0x68: {  	v16 =	vadd.f32 v15, v5;
	v7 =	vld [tilespmem:s23+$0x12C10];
	[tilespmem:s23+$0xAF40] =	vst v12;
	v25 =	vadd.f32 v11, v20  }
0x69: {  	v17 =	vadd.f32 v10, v20;
	v14 =	vld [tilespmem:s23+$0x6410];
	[tilespmem:s23+$0x7D00] =	vst v13;
	v13 =	vadd.f32 v22, v6  }
0x6a: {  	v18 =	vadd.f32 v21, v20;
	[tilespmem:s23+$0x6400] =	vst v19;
	v12 =	vld [tilespmem:s23+$0x7D10];
	v10 =	vadd.f32 v23, v6  }
0x6b: {  	s25 =	sadd.s32 $0x200, s25;
	v11 =	vadd.f32 v8, v20;
	v15 =	vld [tilespmem:s23+$0xAF30];
	[tilespmem:s23+$0x7D60] =	vst v25;
	v8 =	vadd.f32 v24, v6  }
0x6c: {  	[tilespmem:s23+$0xAF00] =	vst v16  }
0x6d: {  	[tilespmem:s23+$0xAF60] =	vst v17  }
0x6e: {  	[tilespmem:s23+$0x9660] =	vst v18  }
0x6f: {  	[tilespmem:s23+$0x6470] =	vst v13  }
0x70: {  	v16 =	vld [tilespmem:s23+$0xAF50];
	[tilespmem:s23+$0x9670] =	vst v10  }
0x71: {  	v2 =	vadd.f32 v2, v7;
	[tilespmem:s23+$0x6460] =	vst v11  }
0x72: {  	v3 =	vadd.f32 v3, v7;
	[tilespmem:s23+$0x7D70] =	vst v8  }
0x73: {  	[tilespmem:s23+$0xAF10] =	vst v2;
	v2 =	vadd.f32 v14, v7  }
0x74: {  	[tilespmem:s23+$0x9610] =	vst v3;
	v1 =	vadd.f32 v15, v1  }
0x75: {  	[tilespmem:s23+$0x6410] =	vst v2;
	v0 =	vadd.f32 v16, v0  }
0x76: {  	s24 =	smul.u32 $0x640, s21;
	[tilespmem:s23+$0xAF30] =	vst v1;
	v1 =	vadd.f32 v4, v5  }
0x77: {  	[tilespmem:s23+$0xAF50] =	vst v0;
	v0 =	vadd.f32 v12, v7  }
0x78: {  	s24 =	sadd.s32 s3, s24;
	[tilespmem:s23+$0x9600] =	vst v1;
	v1 =	vadd.f32 v9, v6  }
0x79: {  	s24 =	sshll.u32 s24, $0x4;
	[tilespmem:s23+$0x7D10] =	vst v0  }
0x7a: {  	s31 =	sadd.s32 s6, s24;
	[tilespmem:s23+$0xAF70] =	vst v1  }
0x7b: {  	[hbm4b:s31+s15] =	stream.strided.scatter [tilespmem:s12], [sflag:$0x3], $0x6400, s16, s15, $0x38;
	[tilespmem:$0x14500] =	vst v63  }
0x7c: {  	_ =	swait.ge [sflag:s17], $0x6400  }
0x7d: {  	p0 =	seq.s32 s21, $0xF;
	[sflag:s17] =	ssyncset.done $0x0  }
0x7e: {  	s23 =	smul.u32 @!p0 $0x1900, s21;
	[sflag:s17] =	ssyncadd.s32 $0xFFFF9C00  }
0x7f: {  	_ =	swait.ge [sflag:s18], $0x6400  }
0x80: {  	s25 =	simm.s32 @!p0 $0x6400;
	s23 =	sshra.s32 @!p0 s23, $0x2;
	[sflag:s18] =	ssyncset.done $0x0  }
0x81: {  	s24 =	simm.s32 @!p0 $0x320;
	s23 =	sadd.s32 @!p0 $0x640, s23;
	[sflag:s18] =	ssyncadd.s32 $0xFFFF9C00  }
0x82: {  	[tilespmem:s25], [sflag:$0x1] =	stream.indirect.gather @!p0 [hbm4b:s4+s24], $0x20, s23, s24, $0xb8;
	[tilespmem:$0x14500] =	vst v63  }
0x83: {  	s23 =	simm.s32 $0x0  }
0x84: {  	v7 =	vld [tilespmem:s23+$0xFA40]  }
0x85: {  	v3 =	vld [tilespmem:s23+$0xC820]  }
0x86: {  	v6 =	vld [tilespmem:s23+$0xE150]  }
0x87: {  	v8 =	vld [tilespmem:s23+$0xE140]  }
0x88: {  	v5 =	vld [tilespmem:s23+$0xC850]  }
0x89: {  	v9 =	vld [tilespmem:s23+$0xC840]  }
0x8a: {  	v0 =	vld [tilespmem:s23+$0x12C50]  }
0x8b: {  	v10 =	vld [tilespmem:s23+$0x12C40]  }
0x8c: {  	v4 =	vld [tilespmem:s23+$0x11320]  }
0x8d: {  	v11 =	vld [tilespmem:s23+$0xFA30]  }
0x8e: {  	v12 =	vld [tilespmem:s23+$0xFA20]  }
0x8f: {  	v13 =	vld [tilespmem:s23+$0xE130]  }
0x90: {  	v1 =	vld [tilespmem:s23+$0x12C30]  }
0x91: {  	v14 =	vld [tilespmem:s23+$0xE120]  }
0x92: {  	v16 =	vld [tilespmem:s23+$0x12C20]  }
0x93: {  	v15 =	vld [tilespmem:s23+$0xC830]  }
0x94: {  	v17 =	vld [tilespmem:s23+$0x11300]  }
0x95: {  	v2 =	vld [tilespmem:s23+$0x11310];
	v11 =	vadd.f32 v11, v1  }
0x96: {  	v18 =	vld [tilespmem:s23+$0xE100]  }
0x97: {  	v19 =	vld [tilespmem:s23+$0xC800];
	[tilespmem:s23+$0xFA30] =	vst v11;
	v11 =	vadd.f32 v3, v16  }
0x98: {  	v20 =	vld [tilespmem:s23+$0xFA60]  }
0x99: {  	v21 =	vld [tilespmem:s23+$0xE160];
	[tilespmem:s23+$0xC820] =	vst v11;
	v11 =	vadd.f32 v12, v16  }
0x9a: {  	v22 =	vld [tilespmem:s23+$0xC870]  }
0x9b: {  	v23 =	vld [tilespmem:s23+$0xC860];
	[tilespmem:s23+$0xFA20] =	vst v11;
	v11 =	vadd.f32 v14, v16  }
0x9c: {  	v24 =	vld [tilespmem:s23+$0x12C60];
	v13 =	vadd.f32 v13, v1  }
0x9d: {  	v25 =	vld [tilespmem:s23+$0xE170];
	[tilespmem:s23+$0xE120] =	vst v11;
	v11 =	vadd.f32 v15, v1  }
0x9e: {  	v9 =	vadd.f32 v9, v10;
	[tilespmem:s23+$0xE130] =	vst v13;
	v13 =	vld [tilespmem:s23+$0x11340]  }
0x9f: {  	v4 =	vadd.f32 v4, v16;
	[tilespmem:s23+$0xC830] =	vst v11;
	v11 =	vld [tilespmem:s23+$0xFA50]  }
0xa0: {  	v8 =	vadd.f32 v8, v10;
	[tilespmem:s23+$0xC840] =	vst v9;
	v9 =	vadd.f32 v6, v0;
	v6 =	vld [tilespmem:s23+$0x12C70]  }
0xa1: {  	v7 =	vadd.f32 v7, v10;
	[tilespmem:s23+$0x11320] =	vst v4;
	v14 =	vadd.f32 v5, v0;
	v5 =	vld [tilespmem:s23+$0x12C00]  }
0xa2: {  	v3 =	vld [tilespmem:s23+$0xFA10];
	[tilespmem:s23+$0xE140] =	vst v8  }
0xa3: {  	[tilespmem:s23+$0xFA40] =	vst v7;
	v12 =	vld [tilespmem:s23+$0x11360];
	v10 =	vadd.f32 v13, v10  }
0xa4: {  	v8 =	vld [tilespmem:s23+$0xFA70];
	[tilespmem:s23+$0xE150] =	vst v9;
	v9 =	vadd.f32 v11, v0  }
0xa5: {  	v4 =	vld [tilespmem:s23+$0xFA00];
	[tilespmem:s23+$0x11340] =	vst v10  }
0xa6: {  	v13 =	vadd.f32 v22, v6;
	v10 =	vadd.f32 v19, v5;
	[tilespmem:s23+$0xFA50] =	vst v9;
	v9 =	vld [tilespmem:s23+$0x11370]  }
0xa7: {  	v7 =	vld [tilespmem:s23+$0x12C10];
	[tilespmem:s23+$0xC850] =	vst v14;
	v16 =	vadd.f32 v17, v5;
	v19 =	vadd.f32 v21, v24  }
0xa8: {  	v14 =	vld [tilespmem:s23+$0xC810];
	v17 =	vadd.f32 v12, v24;
	[tilespmem:s23+$0xC800] =	vst v10;
	v11 =	vadd.f32 v18, v5  }
0xa9: {  	v12 =	vld [tilespmem:s23+$0xE110];
	v10 =	vadd.f32 v8, v6;
	[tilespmem:s23+$0xE160] =	vst v19;
	v8 =	vadd.f32 v25, v6  }
0xaa: {  	s24 =	simm.s32 $0x0;
	s25 =	simm.s32 $0x200;
	v15 =	vld [tilespmem:s23+$0x11330];
	v18 =	vadd.f32 v20, v24;
	[tilespmem:s23+$0xE100] =	vst v11;
	v11 =	vadd.f32 v23, v24  }
.LBB2_5:
0xab: {  	s26 =	sshra.s32 s25, $0x2;
	s24 =	sadd.s32 $0x4, s24;
	v4 =	vadd.f32 v4, v5;
	[tilespmem:s23+$0x11300] =	vst v16;
	v5 =	vld [tilespmem:s23+$0x11350];
	v6 =	vadd.f32 v9, v6  }
0xac: {  	v9 =	vld [tilespmem:s26+$0xFA40];
	p0 =	slt.u32 s24, $0xC4;
	v3 =	vadd.f32 v3, v7;
	v2 =	vadd.f32 v2, v7;
	[tilespmem:s23+$0x11360] =	vst v17  }
0xad: {  	v16 =	vld [tilespmem:s26+$0xC820];
	v14 =	vadd.f32 v14, v7;
	[tilespmem:s23+$0xFA60] =	vst v18  }
0xae: {  	v17 =	vld [tilespmem:s26+$0xE150];
	v7 =	vadd.f32 v12, v7;
	[tilespmem:s23+$0x11310] =	vst v2  }
0xaf: {  	v12 =	vld [tilespmem:s26+$0xE140];
	v1 =	vadd.f32 v15, v1;
	[tilespmem:s23+$0xC870] =	vst v13  }
0xb0: {  	v13 =	vld [tilespmem:s26+$0xC850];
	[tilespmem:s23+$0xFA10] =	vst v3;
	v2 =	vadd.f32 v5, v0  }
0xb1: {  	v5 =	vld [tilespmem:s26+$0xC840];
	[tilespmem:s23+$0x11330] =	vst v1  }
0xb2: {  	v0 =	vld [tilespmem:s26+$0x12C50];
	[tilespmem:s23+$0xC810] =	vst v14  }
0xb3: {  	v14 =	vld [tilespmem:s26+$0x12C40];
	[tilespmem:s23+$0xC860] =	vst v11  }
0xb4: {  	v3 =	vld [tilespmem:s26+$0x11320];
	[tilespmem:s23+$0xFA70] =	vst v10  }
0xb5: {  	v10 =	vld [tilespmem:s26+$0xFA30];
	[tilespmem:s23+$0x11350] =	vst v2  }
0xb6: {  	v11 =	vld [tilespmem:s26+$0xFA20];
	[tilespmem:s23+$0xFA00] =	vst v4  }
0xb7: {  	v4 =	vld [tilespmem:s26+$0xE130];
	[tilespmem:s23+$0xE170] =	vst v8  }
0xb8: {  	v8 =	vld [tilespmem:s26+$0xE120];
	[tilespmem:s23+$0xE110] =	vst v7  }
0xb9: {  	v7 =	vld [tilespmem:s26+$0xC830];
	[tilespmem:s23+$0x11370] =	vst v6;
	s23 =	smov.u32 s26  }
0xba: {  	v1 =	vld [tilespmem:s23+$0x12C30]  }
0xbb: {  	v6 =	vld [tilespmem:s23+$0x12C20]  }
0xbc: {  	v15 =	vld [tilespmem:s23+$0x11300]  }
0xbd: {  	v2 =	vld [tilespmem:s23+$0x11310]  }
0xbe: {  	v18 =	vld [tilespmem:s23+$0xE100]  }
0xbf: {  	v19 =	vld [tilespmem:s23+$0xC800];
	v20 =	vadd.f32 v4, v1;
	v4 =	vadd.f32 v10, v1  }
0xc0: {  	v10 =	vadd.f32 v16, v6;
	v16 =	vadd.f32 v3, v6;
	v21 =	vld [tilespmem:s23+$0xFA60]  }
0xc1: {  	v8 =	vadd.f32 v8, v6;
	v6 =	vadd.f32 v11, v6;
	[tilespmem:s23+$0xFA30] =	vst v4;
	v11 =	vld [tilespmem:s23+$0xE160]  }
0xc2: {  	v7 =	vadd.f32 v7, v1;
	v3 =	vld [tilespmem:s23+$0xFA10];
	[tilespmem:s23+$0xC820] =	vst v10  }
0xc3: {  	[tilespmem:s23+$0x11320] =	vst v16;
	v10 =	vld [tilespmem:s23+$0x11360]  }
0xc4: {  	[tilespmem:s23+$0xFA20] =	vst v6;
	v22 =	vld [tilespmem:s23+$0xC870]  }
0xc5: {  	v4 =	vld [tilespmem:s23+$0xFA00];
	[tilespmem:s23+$0xE120] =	vst v8  }
0xc6: {  	[tilespmem:s23+$0xE130] =	vst v20;
	v8 =	vld [tilespmem:s23+$0xC860]  }
0xc7: {  	v6 =	vadd.f32 v5, v14;
	[tilespmem:s23+$0xC830] =	vst v7;
	v7 =	vld [tilespmem:s23+$0xFA50]  }
0xc8: {  	v13 =	vadd.f32 v13, v0;
	v16 =	vld [tilespmem:s23+$0x11340]  }
0xc9: {  	v5 =	vld [tilespmem:s23+$0x12C00];
	[tilespmem:s23+$0xC840] =	vst v6;
	v6 =	vadd.f32 v12, v14  }
0xca: {  	v12 =	vadd.f32 v17, v0;
	[tilespmem:s23+$0xC850] =	vst v13;
	v20 =	vld [tilespmem:s23+$0x12C60]  }
0xcb: {  	v9 =	vadd.f32 v9, v14;
	[tilespmem:s23+$0xE140] =	vst v6;
	v6 =	vld [tilespmem:s23+$0x12C70]  }
0xcc: {  	[tilespmem:s23+$0xE150] =	vst v12;
	v7 =	vadd.f32 v7, v0;
	v23 =	vld [tilespmem:s23+$0xFA70]  }
0xcd: {  	[tilespmem:s23+$0xFA40] =	vst v9;
	v12 =	vadd.f32 v16, v14;
	v24 =	vld [tilespmem:s23+$0xE170]  }
.Ltmp1:
0xce: {  	v19 =	vadd.f32 v19, v5;
	v13 =	vadd.f32 v18, v5;
	[tilespmem:s23+$0xFA50] =	vst v7;
	v9 =	vld [tilespmem:s23+$0x11370];
	(pc) =	sbr.rel @p0 .LBB2_5-.Ltmp1, $4  }
0xcf: {  	v16 =	vadd.f32 v15, v5;
	v7 =	vld [tilespmem:s23+$0x12C10];
	[tilespmem:s23+$0x11340] =	vst v12;
	v25 =	vadd.f32 v11, v20  }
0xd0: {  	v17 =	vadd.f32 v10, v20;
	v14 =	vld [tilespmem:s23+$0xC810];
	[tilespmem:s23+$0xE100] =	vst v13;
	v13 =	vadd.f32 v22, v6  }
0xd1: {  	v18 =	vadd.f32 v21, v20;
	[tilespmem:s23+$0xC800] =	vst v19;
	v12 =	vld [tilespmem:s23+$0xE110];
	v10 =	vadd.f32 v23, v6  }
0xd2: {  	s25 =	sadd.s32 $0x200, s25;
	v11 =	vadd.f32 v8, v20;
	v15 =	vld [tilespmem:s23+$0x11330];
	[tilespmem:s23+$0xE160] =	vst v25;
	v8 =	vadd.f32 v24, v6  }
0xd3: {  	[tilespmem:s23+$0x11300] =	vst v16  }
0xd4: {  	[tilespmem:s23+$0x11360] =	vst v17  }
0xd5: {  	[tilespmem:s23+$0xFA60] =	vst v18  }
0xd6: {  	[tilespmem:s23+$0xC870] =	vst v13  }
0xd7: {  	[tilespmem:s23+$0xFA70] =	vst v10  }
0xd8: {  	v61 =	vadd.f32 v4, v5;
	[tilespmem:s23+$0xC860] =	vst v11  }
0xd9: {  	v63 =	vadd.f32 v9, v6;
	[tilespmem:s23+$0xE170] =	vst v8  }
0xda: {  	v59 =	vld [tilespmem:s23+$0x11350];
	v2 =	vadd.f32 v2, v7;
	[tilespmem:s23+$0xFA00] =	vst v61  }
0xdb: {  	v3 =	vadd.f32 v3, v7;
	[tilespmem:s23+$0x11370] =	vst v63  }
0xdc: {  	s22 =	smul.u32 $0x320, s22;
	s21 =	sadd.s32 $0x1, s21;
	v60 =	vadd.f32 v14, v7;
	[tilespmem:s23+$0x11310] =	vst v2  }
0xdd: {  	p0 =	sne.s32 s21, $0x10;
	[tilespmem:s23+$0xFA10] =	vst v3;
	v62 =	vadd.f32 v12, v7  }
.Ltmp2:
0xde: {  	s22 =	sadd.s32 s3, s22;
	v1 =	vadd.f32 v15, v1;
	[tilespmem:s23+$0xC810] =	vst v60;
	(pc) =	sbr.rel @p0 .LBB2_2-.Ltmp2, $4  }
0xdf: {  	s22 =	sshll.u32 s22, $0x4;
	v0 =	vadd.f32 v59, v0;
	[tilespmem:s23+$0xE110] =	vst v62  }
0xe0: {  	s22 =	sand.u32 $0x1FFFFE00, s22;
	[tilespmem:s23+$0x11330] =	vst v1  }
0xe1: {  	s22 =	sadd.s32 s6, s22;
	[tilespmem:s23+$0x11350] =	vst v0  }
0xe2: {  	[hbm4b:s22+s15] =	stream.strided.scatter [tilespmem:s14], [sflag:$0x4], $0x6400, s16, s15, $0x38;
	[tilespmem:$0x14500] =	vst v63  }
0xe3: {  	s20 =	sadd.s32 $0x1, s20  }
0xe4: {  	p0 =	sne.s32 s20, s8  }
.Ltmp3:
0xe5: {  	_ = 	snop;
	(pc) =	sbr.rel @p0 .LBB2_1-.Ltmp3, $4  }
0xe6: {  	_ = 	snop  }
0xe7: {  	_ =	swait.ge [sflag:s19], $0x6400  }
0xe8: {  	[sflag:s19] =	ssyncset.done $0x0  }
0xe9: {  	[sflag:s19] =	ssyncadd.s32 $0xFFFF9C00  }
0xea: {  	_ =	sfence.sel $0x180000  }
0xeb: {  	[bflag:$0x0] =	sbarrier.arrive $0xFFFF  }
0xec: {  	p0 =	sne.s32 s0, $0x0;
	_ =	strace $0x9000004A  }
0xed: {  	s0 =	sadd.s32 @!p0 $0x100000, s1;
	[bflag:$0x2] =	sbarrier.arrive $0xFFFF  }
0xee: {  	[sflag:s0] =	ssyncadd.tile.s32 @!p0 $0x1;
	_ =	shalt  }
.Lfunc_end2:
_tile_overlayer_lowered:
.L_overlay_start_2:
0xef: {  	(tag) =	ssettag $0x2  }
0xf0: {  	s0 =	rddreg [dreg:$0x0];
	s2 =	stileid.u32  }
0xf1: {  	s1 =	rddreg [dreg:$0x1];
	p0 =	sne.s32 s2, $0x0  }
0xf2: {  	s3 =	rddreg [dreg:$0x2];
	[bflag:$0x3] =	sbarrier.arrive $0xFFFF;
	s2 =	simm.s32 @!p0 $0x1C05  }
0xf3: {  	[timem:s3], [sflag:s2] =	dma.local @!p0 [hbm:s0], s1  }
0xf4: {  	s0 =	simm.s32 @!p0 $0x5  }
0xf5: {  	_ =	swait.ge @!p0 [sflag:s0], s1  }
0xf6: {  	s1 =	ssub.s32 @!p0 $0x0, s1;
	[sflag:s0] =	ssyncset.done @!p0 $0x0  }
0xf7: {  	[sflag:s0] =	ssyncadd.s32 @!p0 s1  }
0xf8: {  	[bflag:$0x3] =	sbarrier.arrive $0xFFFF  }
0xf9: {  	_ =	shalt  }

// kernel: sparse-core-data-format-call.1.cloned.1.call-start
scs
called_computation.1_lowered:
.L_overlay_start_0:
0x0: {  	s2 =	sld [smem:$0x3FD9]  }
0x1: {  	s3 =	sld [smem:$0x3FFE];
	_ =	sdelay $0x1  }
0x2: {  	s1 =	srdreg.scid  }
0x3: {  	s0 =	sand.u32 $0x1, s1  }
0x4: {  	s18 =	sshll.u32 s0, $0xA;
	s2 =	sadd.s32 s3, s2  }
0x5: {  	s2 =	sadd.s32 s2, s18  }
0x6: {  	[smem:$0x3FC5] =	sst s2  }
0x7: {  	_ = 	snop  }
0x8: {  	s2 =	sld [smem:$0x3FC8];
	(tm) =	ssettm $0x1  }
0x9: {  	s19 =	sld [smem:$0x3FFB];
	_ =	sdelay $0x3  }
0xa: {  	_ =	strace s19  }
0xb: {  	s3 =	sld [smem:$0x3FFC];
	_ =	sdelay $0x3  }
0xc: {  	_ =	strace s3  }
0xd: {  	s3 =	sld [smem:$0x3FFD];
	_ =	sdelay $0x3  }
0xe: {  	_ =	strace s3  }
0xf: {  	_ =	strace $0x8FFFFFFF  }
0x10: {  	s20 =	sld [smem:$0x3FDB];
	_ =	sdelay $0x1  }
0x11: {  	s4 =	simm.s32 $_scs_section_size  }
0x12: {  	s5 =	simm.s32 $_size__tile_overlayer_lowered;
	s6 =	simm.s32 $_tile_overlayer_lowered  }
0x13: {  	s23 =	simm.s32 $0x1BFF;
	s22 =	sshll.u32 s6, $0x1;
	s3 =	sadd.s32 s4, s20  }
0x14: {  	s7 =	simm.s32 $0x0;
	s21 =	sshll.u32 s5, $0x1;
	s5 =	sadd.s32 s22, s3  }
0x15: {  	[timem:s7], [sflag:s23] =	dma.local [hbm:s5], s21  }
0x16: {  	_ =	swait.ge [sflag:s23], s21  }
0x17: {  	s4 =	ssub.s32 $0x0, s21;
	[sflag:s23] =	ssyncset.done $0x0  }
0x18: {  	[sflag:s23] =	ssyncadd.s32 s4;
	_ =	sdelay $0x1  }
0x19: {  	s24 =	simm.s32 $0x1B8B  }
0x1a: {  	_ =	swait.ge [sflag:s24], $0x1  }
0x1b: {  	[sflag:s24] =	ssyncset.done $0x0  }
0x1c: {  	s26 =	simm.s32 $0x1B8E;
	s25 =	sld [smem:$0x3FFE];
	[sflag:s24] =	ssyncadd.s32 $0xFFFFFFFF  }
0x1d: {  	s27 =	simm.s32 $execute0_lowered;
	[smem:$0x3FD2] =	sst s26  }
0x1e: {  	s5 =	sshll.u32 s27, $0x1;
	_ =	strace $0x80000046;
	[dreg:$0x1] =	wrdreg $0xFFFFFFFF  }
0x1f: {  	s28 =	simm.s32 $_size_execute0_lowered;
	s3 =	sadd.s32 s3, s5;
	[dreg:$0x0] =	wrdreg $0x0  }
0x20: {  	s5 =	sshll.u32 s28, $0x1;
	[dreg:$0x2] =	wrdreg s3  }
0x21: {  	[dreg:$0x3] =	wrdreg s5  }
0x22: {  	[dreg:$0x4] =	wrdreg $0xC0  }
0x23: {  	_ =	task [dreg:s7], $0x5FFFF  }
0x24: {  	[dreg:$0x1] =	wrdreg $0xFFFFFFFF  }
0x25: {  	[dreg:$0x0] =	wrdreg $0x60  }
0x26: {  	[dreg:$0x2] =	wrdreg s2  }
0x27: {  	[dreg:$0x3] =	wrdreg s25  }
0x28: {  	[dreg:$0x4] =	wrdreg $0x9  }
0x29: {  	_ =	task.clear_ibuf [dreg:s7], $0x5FFFF;
	_ =	strace $0x90000046  }
0x2a: {  	s29 =	simm.s32 $0x9;
	_ =	strace $0x80000048  }
0x2b: {  	_ =	swait.ge [sflag:s29], $0x1  }
0x2c: {  	[sflag:s29] =	ssyncadd.s32 $0xFFFFFFFF  }
0x2d: {  	_ =	strace $0x90000048  }
0x2e: {  	_ =	sfence  }
0x2f: {  	s30 =	sld [smem:$0x0];
	_ =	sdelay $0x2  }
0x30: {  	s31 =	sshll.u32 s1, $0xD;
	s1 =	sshrl.u32 s1, $0x2  }
0x31: {  	s3 =	sand.u32 $0x4000, s31;
	s1 =	sadd.s32 s1, s30  }
0x32: {  	s0 =	sor.u32 s3, s0;
	s1 =	sshll.u32 s1, $0x11  }
0x33: {  	s0 =	sor.u32 s1, s0  }
0x34: {  	s0 =	sadd.s32 $0x8F2B, s0  }
0x35: {  	[sflag:s0] =	ssyncadd.remote.s32 $0x1  }
0x36: {  	_ =	sfence.sel $0xFFFF  }
0x37: {  	[dreg:$0x0] =	wrdreg $0xFFFFFFFF;
	(pc) =	sbr.abs _section_cstart, $3  }
0x38: {  	[dreg:$0x1] =	wrdreg $0xFFFFFFFF  }
0x39: {  	_ =	task.clear_ibuf [dreg:s7], $0x2FFFF;
	_ =	strace $0x9FFFFFFF  }
0x3a: {  	(tm) =	ssettm $0x7FFFFFFF  }
0x3b: {  	_ =	shalt  }
tec
execute0_lowered:
.L_overlay_start_1:
0x0: {  	(tag) =	ssettag $0x1  }
0x1: {  	s0 =	srdreg.scid;
	s2 =	rddreg [dreg:$0x0]  }
0x2: {  	s5 =	rddreg [dreg:$0x1];
	s1 =	stileid.u32  }
0x3: {  	s4 =	simm.s32 $0x1;
	s6 =	simm.s32 $0x2;
	s15 =	simm.s32 $0x0  }
0x4: {  	p0 =	por $0x0, $0x0;
	s8 =	simm.s32 $0x80;
	s0 =	sshll.u32 s0, $0x4  }
0x5: {  	s14 =	simm.s32 $0x0;
	s9 =	simm.s32 $0x0;
	s3 =	sand.u32 $0x10, s0  }
.Ltmp0:
0x6: {  	s10 =	simm.s32 $0x0;
	s3 =	sor.u32 s1, s3;
	(pc) =	sbr.rel .LBB1_1-.Ltmp0, $4  }
0x7: {  	s0 =	rddreg [dreg:$0x2];
	_ =	strace $0x80000047;
	s3 =	sshll.u32 s3, $0x7  }
0x8: {  	s12 =	simm.s32 $0x0;
	[sflag:s4] =	ssyncpa.u1 $0x0;
	s7 =	ssub.s32 $0xF4200, s3  }
0x9: {  	s13 =	simm.s32 $0x0;
	[sflag:s6] =	ssyncpa.u1 $0x0;
	s6 =	sshrl.u32 s7, $0xC  }
0xa: {  	s5 =	sadd.s32 $0x1000, s5;
	s11 =	smov.u32 s3;
	s7 =	sadd.s32 $0x2, s6  }
.LBB1_5:
0xb: {  	p1 =	slt.u32 s13, $0x2  }
0xc: {  	s17 =	smov.u32 s15;
	p2 =	sgt.s32 @!p1 s15, $0xF41C0;
	s16 =	sshra.s32 @!p1 s15, $0x1F  }
0xd: {  	p3 =	sgt.s32 @!p1 s14, $0x60;
	s18 =	sshra.s32 @!p1 s14, $0x1F;
	p2 =	por !p2, p1  }
0xe: {  	s15 =	sand.u32 @!p1 s16, s15;
	p3 =	por !p3, p1;
	s16 =	smov.u32 s14  }
0xf: {  	s14 =	sand.u32 @!p1 s18, s14;
	s17 =	simm.s32 @p2 $0xF41C0;
	s16 =	simm.s32 @p3 $0x60  }
0x10: {  	s15 =	ssub.s32 @!p1 s17, s15;
	s14 =	ssub.s32 @!p1 s16, s14  }
0x11: {  	s18 =	smov.u32 s12;
	s16 =	sadd.s32 @!p1 $0xFFF0BE40, s15;
	s17 =	sadd.s32 @!p1 $0xFFFFFFA0, s14  }
0x12: {  	s15 =	ssub.s32 @!p1 $0xF4240, s15;
	p2 =	sgt.s32 @!p1 s16, $0x7F;
	p3 =	sgt.s32 @!p1 s17, $0x1F  }
0x13: {  	s14 =	ssub.s32 @!p1 $0x80, s14;
	p2 =	por !p2, p1;
	p3 =	por !p3, p1  }
0x14: {  	s16 =	sadd.s32 $0x1000, s11;
	s15 =	simm.s32 @!p2 $0x0;
	s14 =	simm.s32 @!p3 $0x0  }
0x15: {  	p2 =	sgt.s32 s16, $0xF423F;
	s14 =	smul.u32 @!p1 s14, s15;
	s15 =	sadd.s32 $0x20, s12  }
0x16: {  	s18 =	smov.u32 @p2 s15  }
0x17: {  	s16 =	smov.u32 @p2 s3;
	p2 =	sgt.s32 s18, $0x1F  }
0x18: {  	s18 =	simm.s32 @p2 $0x0;
	p2 =	sne.s32 s13, s7  }
.Ltmp1:
0x19: {  	p0 =	por !p0, !p0;
	s17 =	simm.s32 @!p1 $0x2;
	(pc) =	sbr.rel @!p2 .LBB1_6-.Ltmp1, $4  }
0x1a: {  	s15 =	smov.u32 s9;
	s9 =	smov.u32 s11;
	s14 =	sand.u32 @!p1 $0x3FFFFFFF, s14  }
0x1b: {  	s11 =	smov.u32 s16;
	_ =	swait.ge @!p1 [sflag:s17], s14;
	s19 =	ssub.s32 @!p1 $0x0, s14  }
0x1c: {  	s14 =	smov.u32 s10;
	s13 =	sadd.s32 $0x1, s13;
	[sflag:s17] =	ssyncset.done @!p1 $0x0  }
0x1d: {  	s10 =	smov.u32 s12;
	s12 =	smov.u32 s18;
	[sflag:s17] =	ssyncadd.s32 @!p1 s19  }
.LBB1_1:
0x1e: {  	p1 =	sgt.u32 s13, s6  }
0x1f: {  	s16 =	sshrl.u32 @!p1 s12, $0x3  }
0x20: {  	s17 =	sshll.u32 @!p1 s11, $0x3;
	s16 =	smul.u32 @!p1 $0x7A1400, s16  }
0x21: {  	s18 =	sshll.u32 @!p1 s12, $0x7;
	s17 =	sand.u32 @!p1 $0xFFFFFC00, s17  }
0x22: {  	s16 =	sadd.s32 @!p1 s16, s17;
	s17 =	sand.u32 @!p1 $0x380, s18  }
0x23: {  	s18 =	sand.u32 @!p1 $0x7F, s11;
	s16 =	sor.u32 @!p1 s17, s16  }
0x24: {  	s17 =	sor.u32 @!p1 s18, s16  }
0x25: {  	s18 =	smulhi.u32 @!p1 $0x218D6287, s17;
	_ =	sdelay $0x1  }
0x26: {  	s16 =	smulhi.u32 @!p1 $0x218D6287, s16;
	s18 =	sshrl.u32 @!p1 s18, $0x11  }
0x27: {  	s18 =	smul.u32 @!p1 $0xF4280, s18  }
0x28: {  	s19 =	sxor.u32 @!p1 $0xFFFFFFFF, s13;
	s16 =	sshrl.u32 @!p1 s16, $0x11  }
0x29: {  	s19 =	sshll.u32 @!p1 s19, $0xC;
	s16 =	sand.u32 @!p1 $0x1F, s16;
	s17 =	ssub.s32 @!p1 s17, s18  }
0x2a: {  	s16 =	smul.u32 @!p1 $0x1E850, s16;
	s18 =	sshrl.u32 @!p1 s17, $0x3;
	s17 =	sand.u32 @!p1 $0x7, s17  }
0x2b: {  	s19 =	sand.u32 @!p1 $0x1000, s19;
	s18 =	sadd.s32 @!p1 s2, s18;
	s17 =	sshll.u32 @!p1 s17, $0x12  }
0x2c: {  	s16 =	sadd.s32 @!p1 s16, s18;
	s17 =	sor.u32 @!p1 $0x400, s17;
	s18 =	simm.s32 @!p1 $0x7A1400  }
0x2d: {  	[tilespmem:s19], [sflag:$0x1] =	stream.strided.gather @!p1 [hbm4b:s16+s17], $0x1000, s18, s17, $0x38;
	[tilespmem:$0x4100] =	vst v63  }
0x2e: {  	p1 =	seq.s32 s13, $0x0  }
0x2f: {  	p2 =	sge.u32 @!p1 s13, s7  }
0x30: {  	p1 =	por p1, p2  }
.Ltmp2:
0x31: {  	_ = 	snop;
	(pc) =	sbr.rel @p1 .LBB1_5-.Ltmp2, $1  }
0x32: {  	_ =	sdelay $0x3  }
0x33: {  	s16 =	simm.s32 $0x1  }
0x34: {  	_ =	swait.ge [sflag:s4], $0x1000;
	s16 =	simm.s32 @!p0 $0x0  }
0x35: {  	[sflag:s4] =	ssyncset.done $0x0;
	s17 =	sshll.u32 s16, $0xC  }
0x36: {  	[sflag:s4] =	ssyncadd.s32 $0xFFFFF000;
	s17 =	sor.u32 $0x40, s17  }
0x37: {  	s16 =	smul.u32 $0x4200, s16;
	v0 =	vld [tilespmem:s17+$0x30]  }
0x38: {  	v1 =	vld [tilespmem:s17+$0xFFFFFFD0]  }
0x39: {  	s16 =	sshrl.u32 s16, $0x2;
	v5 =	vld [tilespmem:s17+$0xFFFFFFE0]  }
0x3a: {  	v6 =	vld [tilespmem:s17+$0xFFFFFFF0];
	s19 =	sor.u32 $0x2000, s16  }
0x3b: {  	s31 =	sand.u32 $0x1, s13;
	v4 =	vld [tilespmem:s17+$0x0];
	s18 =	sadd.s32 $0x0, s19  }
0x3c: {  	v3 =	vld [tilespmem:s17+$0x10];
	s16 =	smul.u32 $0x4200, s31;
	[tilespmem:s18+$0xE70 ss:$0x21] =	vst.msk $0xffff, v0  }
0x3d: {  	v2 =	vld [tilespmem:s17+$0x20];
	[tilespmem:s18+$0x210 ss:$0x21] =	vst.msk $0xffff, v1  }
0x3e: {  	s16 =	sshrl.u32 s16, $0x2;
	v1 =	vld [tilespmem:s17+$0xFFFFFFC0];
	[tilespmem:s18+$0x420 ss:$0x21] =	vst.msk $0xffff, v5;
	s17 =	sadd.s32 $0x80, s17  }
0x3f: {  	s20 =	simm.s32 $0x4;
	s21 =	simm.s32 $0x8;
	s16 =	sor.u32 $0x2000, s16;
	[tilespmem:s18+$0x630 ss:$0x21] =	vst.msk $0xffff, v6;
	v0 =	vld [tilespmem:s17+$0x30]  }
.LBB1_3:
0x40: {  	p1 =	sne.s32 s21, $0x7C;
	v5 =	vld [tilespmem:s17+$0xFFFFFFD0];
	[tilespmem:s18+$0x840 ss:$0x21] =	vst.msk $0xffff, v4  }
0x41: {  	v6 =	vld [tilespmem:s17+$0xFFFFFFE0];
	[tilespmem:s18+$0xA50 ss:$0x21] =	vst.msk $0xffff, v3  }
0x42: {  	s22 =	sshra.s32 s20, $0x2;
	s20 =	smov.u32 s21;
	v7 =	vld [tilespmem:s17+$0xFFFFFFF0];
	[tilespmem:s18+$0xC60 ss:$0x21] =	vst.msk $0xffff, v2  }
.Ltmp3:
0x43: {  	v4 =	vld [tilespmem:s17+$0x0];
	[tilespmem:s18+$0x0 ss:$0x21] =	vst.msk $0xffff, v1;
	s18 =	sadd.s32 s22, s19;
	(pc) =	sbr.rel @p1 .LBB1_3-.Ltmp3, $4  }
0x44: {  	v3 =	vld [tilespmem:s17+$0x10];
	[tilespmem:s18+$0xE70 ss:$0x21] =	vst.msk $0xffff, v0  }
0x45: {  	[tilespmem:s18+$0x210 ss:$0x21] =	vst.msk $0xffff, v5;
	v2 =	vld [tilespmem:s17+$0x20]  }
0x46: {  	v1 =	vld [tilespmem:s17+$0xFFFFFFC0];
	[tilespmem:s18+$0x420 ss:$0x21] =	vst.msk $0xffff, v6;
	s17 =	sadd.s32 $0x80, s17  }
0x47: {  	s21 =	sadd.s32 $0x4, s21;
	v0 =	vld [tilespmem:s17+$0x30];
	[tilespmem:s18+$0x630 ss:$0x21] =	vst.msk $0xffff, v7  }
0x48: {  	s21 =	sshll.u32 s9, $0x7;
	s22 =	sshll.u32 s10, $0x3;
	s20 =	sshra.s32 s20, $0x2  }
0x49: {  	p1 =	sgt.s32 s9, $0xF41C0;
	s30 =	sshra.s32 s9, $0x1F;
	s25 =	sshra.s32 s10, $0x1F  }
0x4a: {  	v5 =	vld [tilespmem:s17+$0xFFFFFFD0];
	s28 =	sshrl.u32 s10, $0x3;
	s23 =	sand.u32 $0xFFFFFC00, s21;
	s22 =	sand.u32 $0xFFFFFC00, s22  }
0x4b: {  	[tilespmem:s18+$0x840 ss:$0x21] =	vst.msk $0xffff, v4;
	v58 =	vld [tilespmem:s17+$0xFFFFFFE0];
	s21 =	sand.u32 $0x380, s21;
	s19 =	sadd.s32 s20, s19;
	s22 =	sadd.s32 s22, s23  }
0x4c: {  	v59 =	vld [tilespmem:s17+$0xFFFFFFF0];
	[tilespmem:s18+$0xA50 ss:$0x21] =	vst.msk $0xffff, v3;
	s29 =	sor.u32 s21, s22;
	s21 =	smov.u32 s9;
	s22 =	sand.u32 s30, s9  }
0x4d: {  	v60 =	vld [tilespmem:s17+$0x0];
	[tilespmem:s18+$0xC60 ss:$0x21] =	vst.msk $0xffff, v2;
	s30 =	sand.u32 $0x7, s10;
	s20 =	sshrl.u32 s29, $0x7;
	s21 =	simm.s32 @!p1 $0xF41C0  }
0x4e: {  	v61 =	vld [tilespmem:s17+$0x10];
	[tilespmem:s18+$0x0 ss:$0x21] =	vst.msk $0xffff, v1;
	p1 =	sgt.s32 s10, $0x60;
	s24 =	ssub.s32 s21, s22;
	s21 =	smov.u32 s10  }
0x4f: {  	v62 =	vld [tilespmem:s17+$0x20];
	[tilespmem:s19+$0xE70 ss:$0x21] =	vst.msk $0xffff, v0;
	s31 =	smulhi.u32 $0x218DEF5, s20;
	s22 =	sand.u32 s25, s10;
	s21 =	simm.s32 @!p1 $0x60  }
0x50: {  	v63 =	vld [tilespmem:s17+$0xFFFFFFC0];
	[tilespmem:s19+$0x210 ss:$0x21] =	vst.msk $0xffff, v5;
	s26 =	sadd.s32 $0xFFF0BE40, s24;
	s17 =	ssub.s32 $0xF4240, s24;
	s21 =	ssub.s32 s21, s22  }
0x51: {  	[tilespmem:s19+$0x420 ss:$0x21] =	vst.msk $0xffff, v58;
	s23 =	sshrl.u32 s31, $0xD;
	p1 =	sgt.s32 s26, $0x7F;
	s27 =	sadd.s32 $0xFFFFFFA0, s21  }
0x52: {  	[tilespmem:s19+$0x630 ss:$0x21] =	vst.msk $0xffff, v59;
	s23 =	smul.u32 $0xF4240, s23;
	s18 =	ssub.s32 $0x80, s21;
	p2 =	sgt.s32 s27, $0x1F  }
.Ltmp4:
0x53: {  	[tilespmem:s19+$0x840 ss:$0x21] =	vst.msk $0xffff, v60;
	s17 =	simm.s32 @p1 $0x0;
	s18 =	simm.s32 @p2 $0x0;
	(pc) =	sbr.rel .LBB1_5-.Ltmp4, $4  }
0x54: {  	s29 =	sand.u32 $0xF, s28;
	[tilespmem:s19+$0xA50 ss:$0x21] =	vst.msk $0xffff, v61;
	s20 =	ssub.s32 s20, s23;
	s17 =	smul.u32 s18, s17  }
0x55: {  	[tilespmem:s19+$0xC60 ss:$0x21] =	vst.msk $0xffff, v62;
	s21 =	sshll.u32 s30, $0x12;
	s20 =	sshll.u32 s20, $0x4;
	s18 =	sadd.s32 s5, s29  }
0x56: {  	[tilespmem:s19+$0x0 ss:$0x21] =	vst.msk $0xffff, v63;
	s31 =	sor.u32 $0x20, s21;
	s18 =	sadd.s32 s20, s18;
	s17 =	sand.u32 $0x3FFFFFFF, s17  }
0x57: {  	[hbm4b:s18+s31] =	stream.strided.scatter [tilespmem:s16], [sflag:$0x2], s17, s8, s31, $0x10;
	[tilespmem:$0x4100] =	vst v63  }
.LBB1_6:
0x58: {  	_ =	sfence.sel $0x180000  }
0x59: {  	s2 =	simm.s32 $0x1;
	[bflag:$0x0] =	sbarrier.arrive $0xFFFF  }
0x5a: {  	s31 =	simm.s32 $0x2;
	[sflag:s2] =	ssyncpa.u1 $0x1  }
0x5b: {  	[sflag:s31] =	ssyncpa.u1 $0x1  }
0x5c: {  	p0 =	sne.s32 s1, $0x0;
	_ =	strace $0x90000047  }
0x5d: {  	s0 =	sadd.s32 @!p0 $0x100000, s0;
	[bflag:$0x2] =	sbarrier.arrive $0xFFFF  }
0x5e: {  	[sflag:s0] =	ssyncadd.tile.s32 @!p0 $0x1;
	_ =	shalt  }
.Lfunc_end1:
_tile_overlayer_lowered:
.L_overlay_start_2:
0x5f: {  	(tag) =	ssettag $0x2  }
0x60: {  	s0 =	rddreg [dreg:$0x0];
	s2 =	stileid.u32  }
0x61: {  	s1 =	rddreg [dreg:$0x1];
	p0 =	sne.s32 s2, $0x0  }
0x62: {  	s3 =	rddreg [dreg:$0x2];
	[bflag:$0x3] =	sbarrier.arrive $0xFFFF;
	s2 =	simm.s32 @!p0 $0x1C01  }
0x63: {  	[timem:s3], [sflag:s2] =	dma.local @!p0 [hbm:s0], s1  }
0x64: {  	s0 =	simm.s32 @!p0 $0x1  }
0x65: {  	_ =	swait.ge @!p0 [sflag:s0], s1  }
0x66: {  	s1 =	ssub.s32 @!p0 $0x0, s1;
	[sflag:s0] =	ssyncset.done @!p0 $0x0  }
0x67: {  	[sflag:s0] =	ssyncadd.s32 @!p0 s1  }
0x68: {  	[bflag:$0x3] =	sbarrier.arrive $0xFFFF  }
0x69: {  	_ =	shalt  }

// kernel: sparse-core-data-format-call.cloned.1.call-start
scs
called_computation_lowered:
.L_overlay_start_0:
0x0: {  	s2 =	sld [smem:$0x3FD9]  }
0x1: {  	s3 =	sld [smem:$0x3FFE];
	_ =	sdelay $0x1  }
0x2: {  	s1 =	srdreg.scid  }
0x3: {  	s0 =	sand.u32 $0x1, s1  }
0x4: {  	s18 =	sshll.u32 s0, $0xA;
	s2 =	sadd.s32 s3, s2  }
0x5: {  	s2 =	sadd.s32 s2, s18  }
0x6: {  	[smem:$0x3FC5] =	sst s2  }
0x7: {  	_ = 	snop  }
0x8: {  	s2 =	sld [smem:$0x3FD0];
	(tm) =	ssettm $0x1  }
0x9: {  	s19 =	sld [smem:$0x3FFB];
	_ =	sdelay $0x3  }
0xa: {  	_ =	strace s19  }
0xb: {  	s3 =	sld [smem:$0x3FFC];
	_ =	sdelay $0x3  }
0xc: {  	_ =	strace s3  }
0xd: {  	s3 =	sld [smem:$0x3FFD];
	_ =	sdelay $0x3  }
0xe: {  	_ =	strace s3  }
0xf: {  	_ =	strace $0x8FFFFFFF  }
0x10: {  	s20 =	sld [smem:$0x3FDB];
	_ =	sdelay $0x1  }
0x11: {  	s4 =	simm.s32 $_scs_section_size  }
0x12: {  	s5 =	simm.s32 $_size__tile_overlayer_lowered;
	s6 =	simm.s32 $_tile_overlayer_lowered  }
0x13: {  	s23 =	simm.s32 $0x1BFF;
	s22 =	sshll.u32 s6, $0x1;
	s3 =	sadd.s32 s4, s20  }
0x14: {  	s7 =	simm.s32 $0x0;
	s21 =	sshll.u32 s5, $0x1;
	s5 =	sadd.s32 s22, s3  }
0x15: {  	[timem:s7], [sflag:s23] =	dma.local [hbm:s5], s21  }
0x16: {  	_ =	swait.ge [sflag:s23], s21  }
0x17: {  	s4 =	ssub.s32 $0x0, s21;
	[sflag:s23] =	ssyncset.done $0x0  }
0x18: {  	[sflag:s23] =	ssyncadd.s32 s4;
	_ =	sdelay $0x1  }
0x19: {  	s24 =	simm.s32 $0x1B8B  }
0x1a: {  	_ =	swait.ge [sflag:s24], $0x1  }
0x1b: {  	[sflag:s24] =	ssyncset.done $0x0  }
0x1c: {  	s26 =	simm.s32 $0x1B8E;
	s25 =	sld [smem:$0x3FFE];
	[sflag:s24] =	ssyncadd.s32 $0xFFFFFFFF  }
0x1d: {  	s27 =	simm.s32 $execute0_lowered;
	[smem:$0x3FD2] =	sst s26  }
0x1e: {  	s5 =	sshll.u32 s27, $0x1;
	_ =	strace $0x8000004C;
	[dreg:$0x1] =	wrdreg $0xFFFFFFFF  }
0x1f: {  	s28 =	simm.s32 $_size_execute0_lowered;
	s3 =	sadd.s32 s3, s5;
	[dreg:$0x0] =	wrdreg $0x0  }
0x20: {  	s5 =	sshll.u32 s28, $0x1;
	[dreg:$0x2] =	wrdreg s3  }
0x21: {  	[dreg:$0x3] =	wrdreg s5  }
0x22: {  	[dreg:$0x4] =	wrdreg $0xC0  }
0x23: {  	_ =	task [dreg:s7], $0x5FFFF  }
0x24: {  	[dreg:$0x1] =	wrdreg $0xFFFFFFFF  }
0x25: {  	[dreg:$0x0] =	wrdreg $0x60  }
0x26: {  	[dreg:$0x2] =	wrdreg s25  }
0x27: {  	[dreg:$0x3] =	wrdreg s2  }
0x28: {  	[dreg:$0x4] =	wrdreg $0x9  }
0x29: {  	_ =	task.clear_ibuf [dreg:s7], $0x5FFFF;
	_ =	strace $0x9000004C  }
0x2a: {  	s29 =	simm.s32 $0x9;
	_ =	strace $0x8000004E  }
0x2b: {  	_ =	swait.ge [sflag:s29], $0x1  }
0x2c: {  	[sflag:s29] =	ssyncadd.s32 $0xFFFFFFFF  }
0x2d: {  	_ =	strace $0x9000004E  }
0x2e: {  	_ =	sfence  }
0x2f: {  	s30 =	sld [smem:$0x0];
	_ =	sdelay $0x2  }
0x30: {  	s31 =	sshll.u32 s1, $0xD;
	s1 =	sshrl.u32 s1, $0x2  }
0x31: {  	s3 =	sand.u32 $0x4000, s31;
	s1 =	sadd.s32 s1, s30  }
0x32: {  	s0 =	sor.u32 s3, s0;
	s1 =	sshll.u32 s1, $0x11  }
0x33: {  	s0 =	sor.u32 s1, s0  }
0x34: {  	s0 =	sadd.s32 $0x8F2B, s0  }
0x35: {  	[sflag:s0] =	ssyncadd.remote.s32 $0x1  }
0x36: {  	_ =	sfence.sel $0xFFFF  }
0x37: {  	[dreg:$0x0] =	wrdreg $0xFFFFFFFF;
	(pc) =	sbr.abs _section_cstart, $3  }
0x38: {  	[dreg:$0x1] =	wrdreg $0xFFFFFFFF  }
0x39: {  	_ =	task.clear_ibuf [dreg:s7], $0x2FFFF;
	_ =	strace $0x9FFFFFFF  }
0x3a: {  	(tm) =	ssettm $0x7FFFFFFF  }
0x3b: {  	_ =	shalt  }
tec
execute0_lowered:
.L_overlay_start_1:
0x0: {  	(tag) =	ssettag $0x1  }
0x1: {  	s0 =	srdreg.scid  }
0x2: {  	s1 =	sshll.u32 s0, $0x4  }
0x3: {  	s0 =	stileid.u32;
	s1 =	sand.u32 $0x10, s1  }
0x4: {  	s1 =	sor.u32 s0, s1  }
0x5: {  	s6 =	rddreg [dreg:$0x0];
	s4 =	simm.s32 $0x1;
	s2 =	sshll.u32 s1, $0x7  }
0x6: {  	s7 =	simm.s32 $0x2;
	s12 =	simm.s32 $0x0;
	s1 =	ssub.s32 $0x1000, s2  }
0x7: {  	s8 =	simm.s32 $0x8000;
	s13 =	simm.s32 $0x0;
	s3 =	sand.u32 $0xF80, s1  }
0x8: {  	s9 =	simm.s32 $0x0;
	s5 =	sshrl.u32 s1, $0xC;
	p0 =	sne.s32 s3, $0x0  }
.Ltmp0:
0x9: {  	s1 =	rddreg [dreg:$0x2];
	s4 =	simm.s32 @!p0 $0x0;
	(pc) =	sbr.rel .LBB1_1-.Ltmp0, $4  }
0xa: {  	s11 =	simm.s32 $0x0;
	s3 =	rddreg [dreg:$0x1];
	s5 =	sadd.s32 s4, s5  }
0xb: {  	_ =	strace $0x8000004D;
	s4 =	simm.s32 $0x1;
	s5 =	smul.u32 $0xC8, s5  }
0xc: {  	s6 =	sadd.s32 $0x1000, s6;
	s10 =	smov.u32 s2;
	[sflag:s4] =	ssyncpa.u1 $0x0  }
0xd: {  	p0 =	por $0x0, $0x0;
	[sflag:s7] =	ssyncpa.u1 $0x0;
	s7 =	sor.u32 $0x1, s5  }
.LBB1_4:
0xe: {  	s16 =	sshll.u32 s13, $0x3;
	s17 =	sand.u32 $0x78, s13  }
0xf: {  	s30 =	sand.u32 $0x3E00, s13;
	s12 =	sshll.u32 s12, $0xE;
	s16 =	sand.u32 $0xC00, s16  }
0x10: {  	s31 =	sand.u32 $0x7, s13;
	s16 =	sor.u32 s17, s16;
	s17 =	sadd.s32 s3, s30  }
0x11: {  	s13 =	sshll.u32 s31, $0x12;
	s16 =	sshrl.u32 s16, $0x3;
	s12 =	sadd.s32 s12, s17  }
0x12: {  	[tilespmem:s15+$0x0 ss:$0x81] =	vst.msk $0xffff, v0;
	s13 =	sor.u32 $0x400, s13;
	s12 =	sadd.s32 s16, s12  }
0x13: {  	[hbm4b:s12+s13] =	stream.strided.scatter [tilespmem:s14], [sflag:$0x2], $0x1000, s8, s13, $0x20;
	[tilespmem:$0x4040] =	vst v63  }
.LBB1_5:
0x14: {  	s14 =	sadd.s32 $0x1, s9  }
0x15: {  	s12 =	sadd.s32 $0x1000, s10;
	s16 =	smov.u32 s10;
	p2 =	sgt.s32 s14, $0xC7  }
0x16: {  	s16 =	smov.u32 @p2 s12  }
0x17: {  	s14 =	simm.s32 @p2 $0x0;
	p2 =	sgt.s32 s16, $0xFFF  }
0x18: {  	s16 =	smov.u32 @p2 s2;
	p2 =	sne.s32 s11, s7  }
.Ltmp1:
0x19: {  	p1 =	slt.u32 s11, $0x2;
	(pc) =	sbr.rel @!p2 .LBB1_6-.Ltmp1, $4  }
0x1a: {  	s15 =	simm.s32 @!p1 $0x2  }
0x1b: {  	s13 =	smov.u32 s10;
	p0 =	por !p0, !p0;
	_ =	swait.ge @!p1 [sflag:s15], $0x1000  }
0x1c: {  	s12 =	smov.u32 s9;
	[sflag:s15] =	ssyncset.done @!p1 $0x0;
	s9 =	smov.u32 s14  }
0x1d: {  	s11 =	sadd.s32 $0x1, s11;
	[sflag:s15] =	ssyncadd.s32 @!p1 $0xFFFFF000;
	s10 =	smov.u32 s16  }
.LBB1_1:
0x1e: {  	p1 =	sge.u32 s11, s5  }
0x1f: {  	s14 =	sand.u32 @!p1 $0x1FFFFFF, s9  }
0x20: {  	s15 =	smulhi.u32 @!p1 $0x147AE15, s14;
	_ =	sdelay $0x1  }
0x21: {  	s15 =	smul.u32 @!p1 $0xC8, s15  }
0x22: {  	s16 =	sxor.u32 @!p1 $0xFFFFFFFF, s11;
	s17 =	smul.u32 @!p1 $0xC80, s10  }
0x23: {  	s31 =	sadd.s32 $0xFFFFFFFF, s11;
	s16 =	sshll.u32 @!p1 s16, $0xC;
	s14 =	ssub.s32 @!p1 s14, s15  }
0x24: {  	s15 =	sand.u32 @!p1 $0x1000, s16;
	s16 =	sadd.s32 @!p1 s6, s17;
	s14 =	sshll.u32 @!p1 s14, $0x4  }
0x25: {  	s17 =	simm.s32 @!p1 $0x6400;
	s14 =	sadd.s32 @!p1 s14, s16;
	s16 =	simm.s32 @!p1 $0x20  }
0x26: {  	[tilespmem:s15], [sflag:$0x1] =	stream.strided.gather @!p1 [hbm4b:s14+s16], $0x1000, s17, s16, $0x38;
	[tilespmem:$0x4040] =	vst v63  }
0x27: {  	p1 =	sge.u32 s31, s5  }
.Ltmp2:
0x28: {  	_ = 	snop;
	(pc) =	sbr.rel @p1 .LBB1_5-.Ltmp2, $1  }
0x29: {  	_ =	sdelay $0x3  }
0x2a: {  	s14 =	simm.s32 $0x1  }
0x2b: {  	_ =	swait.ge [sflag:s4], $0x1000;
	s14 =	simm.s32 @!p0 $0x0  }
0x2c: {  	[sflag:s4] =	ssyncset.done $0x0;
	s15 =	sshll.u32 s14, $0xC  }
0x2d: {  	[sflag:s4] =	ssyncadd.s32 $0xFFFFF000;
	s18 =	sor.u32 $0x10, s15  }
0x2e: {  	s14 =	smul.u32 $0x4080, s14;
	v1 =	vld [tilespmem:s18+$0x0]  }
0x2f: {  	s30 =	sand.u32 $0x1, s11;
	v0 =	vld [tilespmem:s18+$0xFFFFFFF0]  }
0x30: {  	s15 =	smul.u32 $0x4080, s30;
	s14 =	sshrl.u32 s14, $0x2  }
0x31: {  	s16 =	sor.u32 $0x2000, s14  }
0x32: {  	s31 =	sshrl.u32 s15, $0x2;
	s15 =	sadd.s32 $0x0, s16  }
0x33: {  	s17 =	simm.s32 $0x4;
	s18 =	sadd.s32 $0x20, s18;
	s14 =	sor.u32 $0x2000, s31;
	[tilespmem:s15+$0x810 ss:$0x81] =	vst.msk $0xffff, v1  }
.LBB1_3:
0x34: {  	v1 =	vld [tilespmem:s18+$0x0];
	p1 =	sne.s32 s17, $0x1FC;
	[tilespmem:s15+$0x0 ss:$0x81] =	vst.msk $0xffff, v0;
	s15 =	smov.u32 s17;
	s17 =	sadd.s32 $0x4, s17  }
.Ltmp3:
0x35: {  	v0 =	vld [tilespmem:s18+$0xFFFFFFF0];
	(pc) =	sbr.rel @p1 .LBB1_3-.Ltmp3, $4  }
0x36: {  	_ = 	snop  }
0x37: {  	s15 =	sshra.s32 s15, $0x2  }
0x38: {  	s15 =	sadd.s32 s15, s16  }
0x39: {  	s18 =	sadd.s32 $0x20, s18;
	[tilespmem:s15+$0x810 ss:$0x81] =	vst.msk $0xffff, v1  }
.Ltmp4:
0x3a: {  	_ = 	snop;
	(pc) =	sbr.rel .LBB1_4-.Ltmp4, $1  }
0x3b: {  	_ =	sdelay $0x3  }
.LBB1_6:
0x3c: {  	_ =	sfence.sel $0x180000  }
0x3d: {  	s2 =	simm.s32 $0x1;
	[bflag:$0x0] =	sbarrier.arrive $0xFFFF  }
0x3e: {  	s31 =	simm.s32 $0x2;
	[sflag:s2] =	ssyncpa.u1 $0x1  }
0x3f: {  	[sflag:s31] =	ssyncpa.u1 $0x1  }
0x40: {  	p0 =	sne.s32 s0, $0x0;
	_ =	strace $0x9000004D  }
0x41: {  	s0 =	sadd.s32 @!p0 $0x100000, s1;
	[bflag:$0x2] =	sbarrier.arrive $0xFFFF  }
0x42: {  	[sflag:s0] =	ssyncadd.tile.s32 @!p0 $0x1;
	_ =	shalt  }
.Lfunc_end1:
_tile_overlayer_lowered:
.L_overlay_start_2:
0x43: {  	(tag) =	ssettag $0x2  }
0x44: {  	s0 =	rddreg [dreg:$0x0];
	s2 =	stileid.u32  }
0x45: {  	s1 =	rddreg [dreg:$0x1];
	p0 =	sne.s32 s2, $0x0  }
0x46: {  	s3 =	rddreg [dreg:$0x2];
	[bflag:$0x3] =	sbarrier.arrive $0xFFFF;
	s2 =	simm.s32 @!p0 $0x1C01  }
0x47: {  	[timem:s3], [sflag:s2] =	dma.local @!p0 [hbm:s0], s1  }
0x48: {  	s0 =	simm.s32 @!p0 $0x1  }
0x49: {  	_ =	swait.ge @!p0 [sflag:s0], s1  }
0x4a: {  	s1 =	ssub.s32 @!p0 $0x0, s1;
	[sflag:s0] =	ssyncset.done @!p0 $0x0  }
0x4b: {  	[sflag:s0] =	ssyncadd.s32 @!p0 s1  }
0x4c: {  	[bflag:$0x3] =	sbarrier.arrive $0xFFFF  }
0x4d: {  	_ =	shalt  }

</sc_bundles>
